<compile_context>
chip_gen: v7x
topology: tpu7x:2x2x1
jax: 0.10.2.dev20260603
libtpu: 0.0.44.dev20260713+nightly
codegen_flags: <defaults>
</compile_context>

<pallas_src>
import functools

import jax
import jax.numpy as jnp
from jax import lax
from jax.experimental import pallas as pl
from jax.experimental.pallas import tpu as pltpu
from jax.experimental.pallas import tpu_sc as plsc

G = 64
NC = 2
NS = 16
CHUNK = 128
WDEG = 128


def _sc_mesh():
    return plsc.VectorSubcoreMesh(
        core_axis_name="c", subcore_axis_name="s", num_cores=NC, num_subcores=NS
    )


def _make_deg(n_pad, nck, rpt):

    @functools.partial(
        pl.kernel,
        out_type=jax.ShapeDtypeStruct((NC, n_pad, WDEG), jnp.float32),
        mesh=_sc_mesh(),
        scratch_types=[
            pltpu.VMEM((CHUNK,), jnp.int32),
            pltpu.VMEM((CHUNK, WDEG), jnp.float32),
            pltpu.VMEM_SHARED((n_pad, WDEG), jnp.float32),
        ],
    )
    def deg_kernel(dst_hbm, ones_hbm, zdeg_hbm, out_hbm, didx, ones_v, acc):
        c = lax.axis_index("c")
        s = lax.axis_index("s")
        pltpu.sync_copy(zdeg_hbm, acc.at[pl.ds(s * rpt, rpt)])
        pltpu.sync_copy(ones_hbm, ones_v)
        plsc.subcore_barrier()
        nchunk = lax.select(c == 0, nck[0], nck[1])
        core0_edges = NS * nck[0] * CHUNK
        base = lax.select(c == 0, s * nck[0] * CHUNK,
                          core0_edges + s * nck[1] * CHUNK)

        @pl.loop(0, nchunk)
        def _(i):
            off = pl.multiple_of(base + i * CHUNK, CHUNK)
            pltpu.sync_copy(dst_hbm.at[pl.ds(off, CHUNK)], didx)
            pltpu.sync_copy(ones_v, acc.at[didx], add=True)

        plsc.subcore_barrier()
        pltpu.sync_copy(acc.at[pl.ds(s * rpt, rpt)],
                        out_hbm.at[c, pl.ds(s * rpt, rpt)])

    return deg_kernel


def _make_scatter(n_pad, d, nck, rpt):

    @functools.partial(
        pl.kernel,
        out_type=jax.ShapeDtypeStruct((NC, n_pad, d), jnp.float32),
        mesh=_sc_mesh(),
        scratch_types=[
            pltpu.VMEM((CHUNK,), jnp.int32),
            pltpu.VMEM((CHUNK,), jnp.int32),
            pltpu.VMEM((CHUNK,), jnp.int32),
            pltpu.VMEM((CHUNK,), jnp.int32),
            pltpu.VMEM((CHUNK, d), jnp.float32),
            pltpu.VMEM((CHUNK, d), jnp.float32),
            pltpu.VMEM_SHARED((n_pad, d), jnp.float32),
            pltpu.SemaphoreType.DMA,
            pltpu.SemaphoreType.DMA,
        ],
    )
    def scat_kernel(src_hbm, dst_hbm, y_hbm, zrow_hbm, out_hbm,
                    sidxa, didxa, sidxb, didxb, rowsa, rowsb, acc,
                    sema, semb):
        c = lax.axis_index("c")
        s = lax.axis_index("s")
        pltpu.sync_copy(zrow_hbm, acc.at[pl.ds(s * rpt, rpt)])
        plsc.subcore_barrier()
        nch2 = lax.select(c == 0, nck[0] // 2, nck[1] // 2)
        core0_edges = NS * nck[0] * CHUNK
        base = lax.select(c == 0, s * nck[0] * CHUNK,
                          core0_edges + s * nck[1] * CHUNK)

        @pl.loop(0, nch2)
        def _(g):
            offa = pl.multiple_of(base + (2 * g) * CHUNK, CHUNK)
            pltpu.sync_copy(src_hbm.at[pl.ds(offa, CHUNK)], sidxa)
            pltpu.sync_copy(dst_hbm.at[pl.ds(offa, CHUNK)], didxa)
            cpa = pltpu.async_copy(y_hbm.at[sidxa], rowsa, sema)
            offb = pl.multiple_of(base + (2 * g + 1) * CHUNK, CHUNK)
            pltpu.sync_copy(src_hbm.at[pl.ds(offb, CHUNK)], sidxb)
            pltpu.sync_copy(dst_hbm.at[pl.ds(offb, CHUNK)], didxb)
            cpb = pltpu.async_copy(y_hbm.at[sidxb], rowsb, semb)
            cpa.wait()
            pltpu.sync_copy(rowsa, acc.at[didxa], add=True)
            cpb.wait()
            pltpu.sync_copy(rowsb, acc.at[didxb], add=True)

        plsc.subcore_barrier()
        pltpu.sync_copy(acc.at[pl.ds(s * rpt, rpt)],
                        out_hbm.at[c, pl.ds(s * rpt, rpt)])

    return scat_kernel


def _dinv_from_parts(degp):
    deg = degp[0, :, 0:1] + degp[1, :, 0:1] + 1.0
    return lax.rsqrt(deg)


def _xw_body(x_ref, w1_ref, xw_ref):
    xw_ref[...] = jnp.dot(x_ref[...], w1_ref[...],
                          preferred_element_type=jnp.float32)


def _scale_body(xw_ref, degp_ref, y_ref):
    y_ref[...] = xw_ref[...] * _dinv_from_parts(degp_ref[...])


def _lin2_body(y1_ref, accp_ref, degp_ref, w2_ref, b1_ref, y2_ref):
    dinv = _dinv_from_parts(degp_ref[...])
    acc = accp_ref[0] + accp_ref[1] + y1_ref[...]
    h1 = jax.nn.relu(dinv * acc + b1_ref[...])
    y2_ref[...] = jnp.dot(h1, w2_ref[...], preferred_element_type=jnp.float32) * dinv


def _make_final(n, n_pad):
    def final_body(y2_ref, accp_ref, degp_ref, b2_ref, batch_ref, wl_ref,
                   bl_ref, out_ref):
        dinv = _dinv_from_parts(degp_ref[...])
        acc = accp_ref[0] + accp_ref[1] + y2_ref[...]
        h2 = jax.nn.relu(dinv * acc + b2_ref[...])[:n]
        seg = lax.broadcasted_iota(jnp.int32, (1, G), 1)
        mask = (batch_ref[...] == seg).astype(jnp.float32)
        dn = (((0,), (0,)), ((), ()))
        sums = lax.dot_general(mask, h2, dn, preferred_element_type=jnp.float32)
        cnt = lax.dot_general(mask, jnp.ones((n, 1), jnp.float32), dn,
                              preferred_element_type=jnp.float32)
        pooled = sums / jnp.maximum(cnt, 1.0)
        out_ref[...] = (
            jnp.dot(pooled, wl_ref[...], preferred_element_type=jnp.float32)
            + bl_ref[...]
        )

    return final_body


def kernel(x, edge_index, batch, W1, b1, W2, b2, Wl, bl):
    n, d = x.shape
    e = edge_index.shape[1]

    n_pad = ((n + (8 * NS) - 1) // (8 * NS)) * (8 * NS)
    rpt = n_pad // NS
    cpp = (e + NS * CHUNK - 1) // (NS * CHUNK)
    n1 = ((cpp * 26) // 100 + 1) // 2 * 2
    n0 = (cpp - n1 + 1) // 2 * 2
    nck_scat = (n0, n1)
    e_pad = NS * CHUNK * max(cpp, n0 + n1) + CHUNK
    nck_deg = ((cpp + 1) // 2, cpp // 2)

    pad_e = e_pad - e
    src = jnp.concatenate(
        [edge_index[0], jnp.full((pad_e,), n, dtype=jnp.int32)])
    dst = jnp.concatenate(
        [edge_index[1], jnp.full((pad_e,), n, dtype=jnp.int32)])
    x_ext = jnp.concatenate(
        [x, jnp.zeros((n_pad - n, d), dtype=jnp.float32)], axis=0)
    ones_deg = jnp.ones((CHUNK, WDEG), dtype=jnp.float32)
    zeros_deg = jnp.zeros((rpt, WDEG), dtype=jnp.float32)
    zeros_row = jnp.zeros((rpt, d), dtype=jnp.float32)
    batch2 = batch.reshape(n, 1)
    b1r = b1.reshape(1, d)
    b2r = b2.reshape(1, d)
    blr = bl.reshape(1, 1)

    degp = _make_deg(n_pad, nck_deg, rpt)(dst, ones_deg, zeros_deg)

    xw1 = pl.pallas_call(
        _xw_body,
        out_shape=jax.ShapeDtypeStruct((n_pad, d), jnp.float32),
    )(x_ext, W1)
    y1 = pl.pallas_call(
        _scale_body,
        out_shape=jax.ShapeDtypeStruct((n_pad, d), jnp.float32),
    )(xw1, degp)

    scat = _make_scatter(n_pad, d, nck_scat, rpt)

    acc1 = scat(src, dst, y1, zeros_row)

    y2 = pl.pallas_call(
        _lin2_body,
        out_shape=jax.ShapeDtypeStruct((n_pad, d), jnp.float32),
    )(y1, acc1, degp, W2, b1r)

    acc2 = scat(src, dst, y2, zeros_row)

    out = pl.pallas_call(
        _make_final(n, n_pad),
        out_shape=jax.ShapeDtypeStruct((G, 1), jnp.float32),
    )(y2, acc2, degp, b2r, batch2, Wl, blr)

    return out.reshape(-1)

# --- scband reference (transcript-rebuilt; emitter-appended) ---
"""Pipeline reference for scband-gcn-29411936043071 (READ-ONLY COPY).

The authoritative reference and input builder live on the scoring server;
editing this copy changes nothing except your own understanding.
"""

import jax, jax.numpy as jnp
import numpy as np

N = 10000
E = 320000
D_IN = 128
D_H = 128
D_OUT = 1
G = 64


def setup_inputs(seed: int = 0) -> dict:
    key = jax.random.key(seed)
    ks = jax.random.split(key, 8)
    x = jax.random.normal(ks[0], (N, D_IN), dtype=jnp.float32)
    edge_index = jax.random.randint(ks[1], (2, E), 0, N, dtype=jnp.int32)
    batch = jnp.sort(jax.random.randint(ks[2], (N,), 0, G, dtype=jnp.int32))
    W1 = jax.random.normal(ks[3], (D_IN, D_H), dtype=jnp.float32) * (1.0 / np.sqrt(D_IN))
    b1 = jnp.zeros((D_H,), dtype=jnp.float32)
    W2 = jax.random.normal(ks[4], (D_H, D_H), dtype=jnp.float32) * (1.0 / np.sqrt(D_H))
    b2 = jnp.zeros((D_H,), dtype=jnp.float32)
    Wl = jax.random.normal(ks[5], (D_H, D_OUT), dtype=jnp.float32) * (1.0 / np.sqrt(D_H))
    bl = jnp.zeros((D_OUT,), dtype=jnp.float32)
    return {"x": x, "edge_index": edge_index, "batch": batch,
            "W1": W1, "b1": b1, "W2": W2, "b2": b2, "Wl": Wl, "bl": bl}


def _gcn_conv(x, edge_index, W, b):
    # PyG GCNConv: add self-loops, symmetric D^-1/2 (A+I) D^-1/2 normalization,
    # linear transform, scatter-add aggregation at dst, bias after aggregation.
    src = edge_index[0]
    dst = edge_index[1]
    loop = jnp.arange(N, dtype=src.dtype)
    s = jnp.concatenate([src, loop])
    d = jnp.concatenate([dst, loop])
    xw = x @ W
    deg = jnp.zeros((N,), dtype=xw.dtype).at[d].add(1.0)
    dinv = jnp.where(deg > 0, jax.lax.rsqrt(deg), 0.0)
    norm = dinv[s] * dinv[d]
    msg = xw[s] * norm[:, None]
    out = jnp.zeros((N, W.shape[1]), dtype=xw.dtype).at[d].add(msg)
    return out + b


def reference(x, edge_index, batch, W1, b1, W2, b2, Wl, bl):
    h = jax.nn.relu(_gcn_conv(x, edge_index, W1, b1))
    h = jax.nn.relu(_gcn_conv(h, edge_index, W2, b2))
    sums = jax.ops.segment_sum(h, batch, num_segments=G)
    cnt = jax.ops.segment_sum(jnp.ones((N, 1), dtype=h.dtype), batch, num_segments=G)
    pooled = sums / jnp.maximum(cnt, 1.0)
    out = pooled @ Wl + bl
    return out.reshape(-1)

if __name__ == "__main__":
    import jax
    _d = setup_inputs()
    print(jax.jit(kernel)(*tuple(_d.values())))

</pallas_src>

<mosaic_0001>
#map = affine_map<(d0, d1) -> (0)>
#map1 = affine_map<(d0, d1) -> (0, 0)>
#map2 = affine_map<(d0, d1) -> (0, 0, 0)>
module attributes {stable_mosaic.version = 14 : i64} {
  func.func @scat_kernel(%arg0: i32, %arg1: i32, %arg2: memref<323712xi32, #tpu.memory_space<hbm>>, %arg3: memref<323712xi32, #tpu.memory_space<hbm>>, %arg4: memref<10112x128xf32, #tpu.memory_space<hbm>>, %arg5: memref<632x128xf32, #tpu.memory_space<hbm>>, %arg6: memref<2x10112x128xf32, #tpu.memory_space<hbm>>, %arg7: memref<128xi32, #tpu.memory_space<vmem>>, %arg8: memref<128xi32, #tpu.memory_space<vmem>>, %arg9: memref<128xi32, #tpu.memory_space<vmem>>, %arg10: memref<128xi32, #tpu.memory_space<vmem>>, %arg11: memref<128x128xf32, #tpu.memory_space<vmem>>, %arg12: memref<128x128xf32, #tpu.memory_space<vmem>>, %arg13: memref<10112x128xf32, #tpu.memory_space<vmem_shared>>, %arg14: memref<!tpu.dma_semaphore, #tpu.memory_space<semaphore_mem>>, %arg15: memref<!tpu.dma_semaphore, #tpu.memory_space<semaphore_mem>>) attributes {dimension_semantics = [#tpu.dimension_semantics<core_parallel>, #tpu.dimension_semantics<subcore_parallel>], iteration_bounds = array<i64: 2, 16>, scalar_prefetch = 0 : i64, scratch_operands = 9 : i64, tpu.core_type = #tpu.core_type<sc_vector_subcore>, window_params = [{transform_indices = #map}, {transform_indices = #map}, {transform_indices = #map1}, {transform_indices = #map1}, {transform_indices = #map2}]} {
    %mul3A = arith.constant 632 : i32
    %mul3A_0 = arith.muli %arg1, %mul3A : i32
    "tpu.region"() ({
      %run_scoped3A = tpu.sem_alloc : memref<!tpu.dma_semaphore, #tpu.memory_space<semaphore_mem>>
      %dma_start3A = arith.constant 0 : i32
      %dma_start3A_37 = tpu.memref_slice %arg13[%mul3A_0, %dma_start3A] : memref<10112x128xf32, #tpu.memory_space<vmem_shared>> -> memref<632x128xf32, #tpu.memory_space<vmem_shared>>
      tpu.enqueue_dma source(%arg5 : memref<632x128xf32, #tpu.memory_space<hbm>>) target(%dma_start3A_37 : memref<632x128xf32, #tpu.memory_space<vmem_shared>>) target_semaphore(%run_scoped3A : memref<!tpu.dma_semaphore, #tpu.memory_space<semaphore_mem>>)
      %dma_wait3A = arith.constant 0 : i32
      %dma_wait3A_38 = tpu.memref_slice %arg13[%mul3A_0, %dma_wait3A] : memref<10112x128xf32, #tpu.memory_space<vmem_shared>> -> memref<632x128xf32, #tpu.memory_space<vmem_shared>>
      tpu.wait_dma2 semaphore(%run_scoped3A : memref<!tpu.dma_semaphore, #tpu.memory_space<semaphore_mem>>) src(%arg5 : memref<632x128xf32, #tpu.memory_space<hbm>>) dst(%dma_wait3A_38 : memref<632x128xf32, #tpu.memory_space<vmem_shared>>)
      tpu.yield
    }) : () -> ()
    %barrier3A = arith.constant 0 : index
    tpu.barrier barrier_id(%barrier3A)
    %eq3A = arith.constant 0 : i32
    %eq3A_1 = arith.cmpi eq, %arg0, %eq3A : i32
    %select_n3A = arith.constant 20 : i32
    %select_n3A_2 = arith.constant 59 : i32
    %select_n3A_3 = arith.select %eq3A_1, %select_n3A_2, %select_n3A : i32
    %eq3A_4 = arith.constant 0 : i32
    %eq3A_5 = arith.cmpi eq, %arg0, %eq3A_4 : i32
    %mul3A_6 = arith.constant 118 : i32
    %mul3A_7 = arith.muli %arg1, %mul3A_6 : i32
    %mul3A_8 = arith.constant 128 : i32
    %mul3A_9 = arith.muli %mul3A_7, %mul3A_8 : i32
    %mul3A_10 = arith.constant 40 : i32
    %mul3A_11 = arith.muli %arg1, %mul3A_10 : i32
    %mul3A_12 = arith.constant 128 : i32
    %mul3A_13 = arith.muli %mul3A_11, %mul3A_12 : i32
    %add3A = arith.constant 241664 : i32
    %add3A_14 = arith.addi %add3A, %mul3A_13 : i32
    %select_n3A_15 = arith.select %eq3A_5, %mul3A_9, %add3A_14 : i32
    %sub3A = arith.constant 0 : i32
    %sub3A_16 = arith.subi %select_n3A_3, %sub3A : i32
    %sub3A_17 = arith.constant 1 : i32
    %sub3A_18 = arith.constant 1 : i32
    %sub3A_19 = arith.subi %sub3A_17, %sub3A_18 : i32
    %add3A_20 = arith.addi %sub3A_16, %sub3A_19 : i32
    %div3A = arith.constant 1 : i32
    %div3A_21 = arith.divsi %add3A_20, %div3A : i32
    %while3A = arith.constant 1 : i32
    %while3A_22 = arith.constant 0 : i32
    %while3A_23 = arith.constant 0 : i32
    %while3A_24 = arith.subi %div3A_21, %while3A_23 : i32
    %while3A_25 = arith.addi %while3A_23, %while3A_24 : i32
    %while3A_26 = arith.constant 1 : i32
    %while3A_27 = arith.divsi %while3A_24, %while3A_26 : i32
    %while3A_28 = arith.muli %while3A_27, %while3A_26 : i32
    %while3A_29 = arith.addi %while3A_23, %while3A_28 : i32
    %while3A_30 = arith.constant 1 : i32
    scf.for %while3A_37 = %while3A_23 to %while3A_29 step %while3A_30  : i32 {
      %mul3A_38 = arith.muli %while3A_37, %while3A : i32
      %add3A_39 = arith.addi %while3A_22, %mul3A_38 : i32
      %mul3A_40 = arith.constant 2 : i32
      %mul3A_41 = arith.muli %mul3A_40, %add3A_39 : i32
      %mul3A_42 = arith.constant 128 : i32
      %mul3A_43 = arith.muli %mul3A_41, %mul3A_42 : i32
      %add3A_44 = arith.addi %select_n3A_15, %mul3A_43 : i32
      %multiple_of3A = tpu.assume_multiple %add3A_44, 128 : i32
      "tpu.region"() ({
        %run_scoped3A = tpu.sem_alloc : memref<!tpu.dma_semaphore, #tpu.memory_space<semaphore_mem>>
        %dma_start3A_63 = tpu.memref_slice %arg2[%multiple_of3A] : memref<323712xi32, #tpu.memory_space<hbm>> -> memref<128xi32, #tpu.memory_space<hbm>>
        %dma_start3A_64 = tpu.memref_slice %arg2[%multiple_of3A] : memref<323712xi32, #tpu.memory_space<hbm>> -> memref<128xi32, #tpu.memory_space<hbm>>
        tpu.enqueue_dma source(%dma_start3A_64 : memref<128xi32, #tpu.memory_space<hbm>>) target(%arg7 : memref<128xi32, #tpu.memory_space<vmem>>) target_semaphore(%run_scoped3A : memref<!tpu.dma_semaphore, #tpu.memory_space<semaphore_mem>>)
        %dma_wait3A_65 = tpu.memref_slice %arg2[%multiple_of3A] : memref<323712xi32, #tpu.memory_space<hbm>> -> memref<128xi32, #tpu.memory_space<hbm>>
        %dma_wait3A_66 = tpu.memref_slice %arg2[%multiple_of3A] : memref<323712xi32, #tpu.memory_space<hbm>> -> memref<128xi32, #tpu.memory_space<hbm>>
        tpu.wait_dma2 semaphore(%run_scoped3A : memref<!tpu.dma_semaphore, #tpu.memory_space<semaphore_mem>>) src(%dma_wait3A_66 : memref<128xi32, #tpu.memory_space<hbm>>) dst(%arg7 : memref<128xi32, #tpu.memory_space<vmem>>)
        tpu.yield
      }) : () -> ()
      "tpu.region"() ({
        %run_scoped3A = tpu.sem_alloc : memref<!tpu.dma_semaphore, #tpu.memory_space<semaphore_mem>>
        %dma_start3A_63 = tpu.memref_slice %arg3[%multiple_of3A] : memref<323712xi32, #tpu.memory_space<hbm>> -> memref<128xi32, #tpu.memory_space<hbm>>
        %dma_start3A_64 = tpu.memref_slice %arg3[%multiple_of3A] : memref<323712xi32, #tpu.memory_space<hbm>> -> memref<128xi32, #tpu.memory_space<hbm>>
        tpu.enqueue_dma source(%dma_start3A_64 : memref<128xi32, #tpu.memory_space<hbm>>) target(%arg8 : memref<128xi32, #tpu.memory_space<vmem>>) target_semaphore(%run_scoped3A : memref<!tpu.dma_semaphore, #tpu.memory_space<semaphore_mem>>)
        %dma_wait3A_65 = tpu.memref_slice %arg3[%multiple_of3A] : memref<323712xi32, #tpu.memory_space<hbm>> -> memref<128xi32, #tpu.memory_space<hbm>>
        %dma_wait3A_66 = tpu.memref_slice %arg3[%multiple_of3A] : memref<323712xi32, #tpu.memory_space<hbm>> -> memref<128xi32, #tpu.memory_space<hbm>>
        tpu.wait_dma2 semaphore(%run_scoped3A : memref<!tpu.dma_semaphore, #tpu.memory_space<semaphore_mem>>) src(%dma_wait3A_66 : memref<128xi32, #tpu.memory_space<hbm>>) dst(%arg8 : memref<128xi32, #tpu.memory_space<vmem>>)
        tpu.yield
      }) : () -> ()
      %dma_start3A = arith.constant 0 : i32
      %dma_start3A_45 = arith.constant 0 : i32
      %dma_start3A_46 = tpu.memref_slice %arg4[%dma_start3A, %dma_start3A_45] : memref<10112x128xf32, #tpu.memory_space<hbm>> -> memref<10112x128xf32, #tpu.memory_space<hbm>>
      tpu.enqueue_indirect_dma source(%dma_start3A_46 : memref<10112x128xf32, #tpu.memory_space<hbm>>) target(%arg11 : memref<128x128xf32, #tpu.memory_space<vmem>>) offsets(%arg7 : memref<128xi32, #tpu.memory_space<vmem>>) semaphore(%arg14 : memref<!tpu.dma_semaphore, #tpu.memory_space<semaphore_mem>>)
      %mul3A_47 = arith.constant 2 : i32
      %mul3A_48 = arith.muli %mul3A_47, %add3A_39 : i32
      %add3A_49 = arith.constant 1 : i32
      %add3A_50 = arith.addi %mul3A_48, %add3A_49 : i32
      %mul3A_51 = arith.constant 128 : i32
      %mul3A_52 = arith.muli %add3A_50, %mul3A_51 : i32
      %add3A_53 = arith.addi %select_n3A_15, %mul3A_52 : i32
      %multiple_of3A_54 = tpu.assume_multiple %add3A_53, 128 : i32
      "tpu.region"() ({
        %run_scoped3A = tpu.sem_alloc : memref<!tpu.dma_semaphore, #tpu.memory_space<semaphore_mem>>
        %dma_start3A_63 = tpu.memref_slice %arg2[%multiple_of3A_54] : memref<323712xi32, #tpu.memory_space<hbm>> -> memref<128xi32, #tpu.memory_space<hbm>>
        %dma_start3A_64 = tpu.memref_slice %arg2[%multiple_of3A_54] : memref<323712xi32, #tpu.memory_space<hbm>> -> memref<128xi32, #tpu.memory_space<hbm>>
        tpu.enqueue_dma source(%dma_start3A_64 : memref<128xi32, #tpu.memory_space<hbm>>) target(%arg9 : memref<128xi32, #tpu.memory_space<vmem>>) target_semaphore(%run_scoped3A : memref<!tpu.dma_semaphore, #tpu.memory_space<semaphore_mem>>)
        %dma_wait3A_65 = tpu.memref_slice %arg2[%multiple_of3A_54] : memref<323712xi32, #tpu.memory_space<hbm>> -> memref<128xi32, #tpu.memory_space<hbm>>
        %dma_wait3A_66 = tpu.memref_slice %arg2[%multiple_of3A_54] : memref<323712xi32, #tpu.memory_space<hbm>> -> memref<128xi32, #tpu.memory_space<hbm>>
        tpu.wait_dma2 semaphore(%run_scoped3A : memref<!tpu.dma_semaphore, #tpu.memory_space<semaphore_mem>>) src(%dma_wait3A_66 : memref<128xi32, #tpu.memory_space<hbm>>) dst(%arg9 : memref<128xi32, #tpu.memory_space<vmem>>)
        tpu.yield
      }) : () -> ()
      "tpu.region"() ({
        %run_scoped3A = tpu.sem_alloc : memref<!tpu.dma_semaphore, #tpu.memory_space<semaphore_mem>>
        %dma_start3A_63 = tpu.memref_slice %arg3[%multiple_of3A_54] : memref<323712xi32, #tpu.memory_space<hbm>> -> memref<128xi32, #tpu.memory_space<hbm>>
        %dma_start3A_64 = tpu.memref_slice %arg3[%multiple_of3A_54] : memref<323712xi32, #tpu.memory_space<hbm>> -> memref<128xi32, #tpu.memory_space<hbm>>
        tpu.enqueue_dma source(%dma_start3A_64 : memref<128xi32, #tpu.memory_space<hbm>>) target(%arg10 : memref<128xi32, #tpu.memory_space<vmem>>) target_semaphore(%run_scoped3A : memref<!tpu.dma_semaphore, #tpu.memory_space<semaphore_mem>>)
        %dma_wait3A_65 = tpu.memref_slice %arg3[%multiple_of3A_54] : memref<323712xi32, #tpu.memory_space<hbm>> -> memref<128xi32, #tpu.memory_space<hbm>>
        %dma_wait3A_66 = tpu.memref_slice %arg3[%multiple_of3A_54] : memref<323712xi32, #tpu.memory_space<hbm>> -> memref<128xi32, #tpu.memory_space<hbm>>
        tpu.wait_dma2 semaphore(%run_scoped3A : memref<!tpu.dma_semaphore, #tpu.memory_space<semaphore_mem>>) src(%dma_wait3A_66 : memref<128xi32, #tpu.memory_space<hbm>>) dst(%arg10 : memref<128xi32, #tpu.memory_space<vmem>>)
        tpu.yield
      }) : () -> ()
      %dma_start3A_55 = arith.constant 0 : i32
      %dma_start3A_56 = arith.constant 0 : i32
      %dma_start3A_57 = tpu.memref_slice %arg4[%dma_start3A_55, %dma_start3A_56] : memref<10112x128xf32, #tpu.memory_space<hbm>> -> memref<10112x128xf32, #tpu.memory_space<hbm>>
      tpu.enqueue_indirect_dma source(%dma_start3A_57 : memref<10112x128xf32, #tpu.memory_space<hbm>>) target(%arg12 : memref<128x128xf32, #tpu.memory_space<vmem>>) offsets(%arg9 : memref<128xi32, #tpu.memory_space<vmem>>) semaphore(%arg15 : memref<!tpu.dma_semaphore, #tpu.memory_space<semaphore_mem>>)
      %dma_wait3A = arith.constant 0 : i32
      %dma_wait3A_58 = arith.constant 0 : i32
      %dma_wait3A_59 = tpu.memref_slice %arg4[%dma_wait3A, %dma_wait3A_58] : memref<10112x128xf32, #tpu.memory_space<hbm>> -> memref<10112x128xf32, #tpu.memory_space<hbm>>
      tpu.wait_indirect_dma semaphore(%arg14 : memref<!tpu.dma_semaphore, #tpu.memory_space<semaphore_mem>>) src(%dma_wait3A_59 : memref<10112x128xf32, #tpu.memory_space<hbm>>) dst(%arg11 : memref<128x128xf32, #tpu.memory_space<vmem>>)
      "tpu.region"() ({
        %run_scoped3A = tpu.sem_alloc : memref<!tpu.dma_semaphore, #tpu.memory_space<semaphore_mem>>
        %dma_start3A_63 = arith.constant 0 : i32
        %dma_start3A_64 = arith.constant 0 : i32
        %dma_start3A_65 = tpu.memref_slice %arg13[%dma_start3A_63, %dma_start3A_64] : memref<10112x128xf32, #tpu.memory_space<vmem_shared>> -> memref<10112x128xf32, #tpu.memory_space<vmem_shared>>
        tpu.enqueue_indirect_dma source(%arg11 : memref<128x128xf32, #tpu.memory_space<vmem>>) target(%dma_start3A_65 : memref<10112x128xf32, #tpu.memory_space<vmem_shared>>) offsets(%arg8 : memref<128xi32, #tpu.memory_space<vmem>>) semaphore(%run_scoped3A : memref<!tpu.dma_semaphore, #tpu.memory_space<semaphore_mem>>) {add = true}
        %dma_wait3A_66 = arith.constant 0 : i32
        %dma_wait3A_67 = arith.constant 0 : i32
        %dma_wait3A_68 = tpu.memref_slice %arg13[%dma_wait3A_66, %dma_wait3A_67] : memref<10112x128xf32, #tpu.memory_space<vmem_shared>> -> memref<10112x128xf32, #tpu.memory_space<vmem_shared>>
        tpu.wait_indirect_dma semaphore(%run_scoped3A : memref<!tpu.dma_semaphore, #tpu.memory_space<semaphore_mem>>) src(%arg11 : memref<128x128xf32, #tpu.memory_space<vmem>>) dst(%dma_wait3A_68 : memref<10112x128xf32, #tpu.memory_space<vmem_shared>>)
        tpu.yield
      }) : () -> ()
      %dma_wait3A_60 = arith.constant 0 : i32
      %dma_wait3A_61 = arith.constant 0 : i32
      %dma_wait3A_62 = tpu.memref_slice %arg4[%dma_wait3A_60, %dma_wait3A_61] : memref<10112x128xf32, #tpu.memory_space<hbm>> -> memref<10112x128xf32, #tpu.memory_space<hbm>>
      tpu.wait_indirect_dma semaphore(%arg15 : memref<!tpu.dma_semaphore, #tpu.memory_space<semaphore_mem>>) src(%dma_wait3A_62 : memref<10112x128xf32, #tpu.memory_space<hbm>>) dst(%arg12 : memref<128x128xf32, #tpu.memory_space<vmem>>)
      "tpu.region"() ({
        %run_scoped3A = tpu.sem_alloc : memref<!tpu.dma_semaphore, #tpu.memory_space<semaphore_mem>>
        %dma_start3A_63 = arith.constant 0 : i32
        %dma_start3A_64 = arith.constant 0 : i32
        %dma_start3A_65 = tpu.memref_slice %arg13[%dma_start3A_63, %dma_start3A_64] : memref<10112x128xf32, #tpu.memory_space<vmem_shared>> -> memref<10112x128xf32, #tpu.memory_space<vmem_shared>>
        tpu.enqueue_indirect_dma source(%arg12 : memref<128x128xf32, #tpu.memory_space<vmem>>) target(%dma_start3A_65 : memref<10112x128xf32, #tpu.memory_space<vmem_shared>>) offsets(%arg10 : memref<128xi32, #tpu.memory_space<vmem>>) semaphore(%run_scoped3A : memref<!tpu.dma_semaphore, #tpu.memory_space<semaphore_mem>>) {add = true}
        %dma_wait3A_66 = arith.constant 0 : i32
        %dma_wait3A_67 = arith.constant 0 : i32
        %dma_wait3A_68 = tpu.memref_slice %arg13[%dma_wait3A_66, %dma_wait3A_67] : memref<10112x128xf32, #tpu.memory_space<vmem_shared>> -> memref<10112x128xf32, #tpu.memory_space<vmem_shared>>
        tpu.wait_indirect_dma semaphore(%run_scoped3A : memref<!tpu.dma_semaphore, #tpu.memory_space<semaphore_mem>>) src(%arg12 : memref<128x128xf32, #tpu.memory_space<vmem>>) dst(%dma_wait3A_68 : memref<10112x128xf32, #tpu.memory_space<vmem_shared>>)
        tpu.yield
      }) : () -> ()
    }
    %while3A_31 = arith.constant 1 : i32
    scf.for %while3A_37 = %while3A_29 to %while3A_25 step %while3A_31  : i32 {
      %mul3A_38 = arith.muli %while3A_37, %while3A : i32
      %add3A_39 = arith.addi %while3A_22, %mul3A_38 : i32
      %mul3A_40 = arith.constant 2 : i32
      %mul3A_41 = arith.muli %mul3A_40, %add3A_39 : i32
      %mul3A_42 = arith.constant 128 : i32
      %mul3A_43 = arith.muli %mul3A_41, %mul3A_42 : i32
      %add3A_44 = arith.addi %select_n3A_15, %mul3A_43 : i32
      %multiple_of3A = tpu.assume_multiple %add3A_44, 128 : i32
      "tpu.region"() ({
        %run_scoped3A = tpu.sem_alloc : memref<!tpu.dma_semaphore, #tpu.memory_space<semaphore_mem>>
        %dma_start3A_63 = tpu.memref_slice %arg2[%multiple_of3A] : memref<323712xi32, #tpu.memory_space<hbm>> -> memref<128xi32, #tpu.memory_space<hbm>>
        %dma_start3A_64 = tpu.memref_slice %arg2[%multiple_of3A] : memref<323712xi32, #tpu.memory_space<hbm>> -> memref<128xi32, #tpu.memory_space<hbm>>
        tpu.enqueue_dma source(%dma_start3A_64 : memref<128xi32, #tpu.memory_space<hbm>>) target(%arg7 : memref<128xi32, #tpu.memory_space<vmem>>) target_semaphore(%run_scoped3A : memref<!tpu.dma_semaphore, #tpu.memory_space<semaphore_mem>>)
        %dma_wait3A_65 = tpu.memref_slice %arg2[%multiple_of3A] : memref<323712xi32, #tpu.memory_space<hbm>> -> memref<128xi32, #tpu.memory_space<hbm>>
        %dma_wait3A_66 = tpu.memref_slice %arg2[%multiple_of3A] : memref<323712xi32, #tpu.memory_space<hbm>> -> memref<128xi32, #tpu.memory_space<hbm>>
        tpu.wait_dma2 semaphore(%run_scoped3A : memref<!tpu.dma_semaphore, #tpu.memory_space<semaphore_mem>>) src(%dma_wait3A_66 : memref<128xi32, #tpu.memory_space<hbm>>) dst(%arg7 : memref<128xi32, #tpu.memory_space<vmem>>)
        tpu.yield
      }) : () -> ()
      "tpu.region"() ({
        %run_scoped3A = tpu.sem_alloc : memref<!tpu.dma_semaphore, #tpu.memory_space<semaphore_mem>>
        %dma_start3A_63 = tpu.memref_slice %arg3[%multiple_of3A] : memref<323712xi32, #tpu.memory_space<hbm>> -> memref<128xi32, #tpu.memory_space<hbm>>
        %dma_start3A_64 = tpu.memref_slice %arg3[%multiple_of3A] : memref<323712xi32, #tpu.memory_space<hbm>> -> memref<128xi32, #tpu.memory_space<hbm>>
        tpu.enqueue_dma source(%dma_start3A_64 : memref<128xi32, #tpu.memory_space<hbm>>) target(%arg8 : memref<128xi32, #tpu.memory_space<vmem>>) target_semaphore(%run_scoped3A : memref<!tpu.dma_semaphore, #tpu.memory_space<semaphore_mem>>)
        %dma_wait3A_65 = tpu.memref_slice %arg3[%multiple_of3A] : memref<323712xi32, #tpu.memory_space<hbm>> -> memref<128xi32, #tpu.memory_space<hbm>>
        %dma_wait3A_66 = tpu.memref_slice %arg3[%multiple_of3A] : memref<323712xi32, #tpu.memory_space<hbm>> -> memref<128xi32, #tpu.memory_space<hbm>>
        tpu.wait_dma2 semaphore(%run_scoped3A : memref<!tpu.dma_semaphore, #tpu.memory_space<semaphore_mem>>) src(%dma_wait3A_66 : memref<128xi32, #tpu.memory_space<hbm>>) dst(%arg8 : memref<128xi32, #tpu.memory_space<vmem>>)
        tpu.yield
      }) : () -> ()
      %dma_start3A = arith.constant 0 : i32
      %dma_start3A_45 = arith.constant 0 : i32
      %dma_start3A_46 = tpu.memref_slice %arg4[%dma_start3A, %dma_start3A_45] : memref<10112x128xf32, #tpu.memory_space<hbm>> -> memref<10112x128xf32, #tpu.memory_space<hbm>>
      tpu.enqueue_indirect_dma source(%dma_start3A_46 : memref<10112x128xf32, #tpu.memory_space<hbm>>) target(%arg11 : memref<128x128xf32, #tpu.memory_space<vmem>>) offsets(%arg7 : memref<128xi32, #tpu.memory_space<vmem>>) semaphore(%arg14 : memref<!tpu.dma_semaphore, #tpu.memory_space<semaphore_mem>>)
      %mul3A_47 = arith.constant 2 : i32
      %mul3A_48 = arith.muli %mul3A_47, %add3A_39 : i32
      %add3A_49 = arith.constant 1 : i32
      %add3A_50 = arith.addi %mul3A_48, %add3A_49 : i32
      %mul3A_51 = arith.constant 128 : i32
      %mul3A_52 = arith.muli %add3A_50, %mul3A_51 : i32
      %add3A_53 = arith.addi %select_n3A_15, %mul3A_52 : i32
      %multiple_of3A_54 = tpu.assume_multiple %add3A_53, 128 : i32
      "tpu.region"() ({
        %run_scoped3A = tpu.sem_alloc : memref<!tpu.dma_semaphore, #tpu.memory_space<semaphore_mem>>
        %dma_start3A_63 = tpu.memref_slice %arg2[%multiple_of3A_54] : memref<323712xi32, #tpu.memory_space<hbm>> -> memref<128xi32, #tpu.memory_space<hbm>>
        %dma_start3A_64 = tpu.memref_slice %arg2[%multiple_of3A_54] : memref<323712xi32, #tpu.memory_space<hbm>> -> memref<128xi32, #tpu.memory_space<hbm>>
        tpu.enqueue_dma source(%dma_start3A_64 : memref<128xi32, #tpu.memory_space<hbm>>) target(%arg9 : memref<128xi32, #tpu.memory_space<vmem>>) target_semaphore(%run_scoped3A : memref<!tpu.dma_semaphore, #tpu.memory_space<semaphore_mem>>)
        %dma_wait3A_65 = tpu.memref_slice %arg2[%multiple_of3A_54] : memref<323712xi32, #tpu.memory_space<hbm>> -> memref<128xi32, #tpu.memory_space<hbm>>
        %dma_wait3A_66 = tpu.memref_slice %arg2[%multiple_of3A_54] : memref<323712xi32, #tpu.memory_space<hbm>> -> memref<128xi32, #tpu.memory_space<hbm>>
        tpu.wait_dma2 semaphore(%run_scoped3A : memref<!tpu.dma_semaphore, #tpu.memory_space<semaphore_mem>>) src(%dma_wait3A_66 : memref<128xi32, #tpu.memory_space<hbm>>) dst(%arg9 : memref<128xi32, #tpu.memory_space<vmem>>)
        tpu.yield
      }) : () -> ()
      "tpu.region"() ({
        %run_scoped3A = tpu.sem_alloc : memref<!tpu.dma_semaphore, #tpu.memory_space<semaphore_mem>>
        %dma_start3A_63 = tpu.memref_slice %arg3[%multiple_of3A_54] : memref<323712xi32, #tpu.memory_space<hbm>> -> memref<128xi32, #tpu.memory_space<hbm>>
        %dma_start3A_64 = tpu.memref_slice %arg3[%multiple_of3A_54] : memref<323712xi32, #tpu.memory_space<hbm>> -> memref<128xi32, #tpu.memory_space<hbm>>
        tpu.enqueue_dma source(%dma_start3A_64 : memref<128xi32, #tpu.memory_space<hbm>>) target(%arg10 : memref<128xi32, #tpu.memory_space<vmem>>) target_semaphore(%run_scoped3A : memref<!tpu.dma_semaphore, #tpu.memory_space<semaphore_mem>>)
        %dma_wait3A_65 = tpu.memref_slice %arg3[%multiple_of3A_54] : memref<323712xi32, #tpu.memory_space<hbm>> -> memref<128xi32, #tpu.memory_space<hbm>>
        %dma_wait3A_66 = tpu.memref_slice %arg3[%multiple_of3A_54] : memref<323712xi32, #tpu.memory_space<hbm>> -> memref<128xi32, #tpu.memory_space<hbm>>
        tpu.wait_dma2 semaphore(%run_scoped3A : memref<!tpu.dma_semaphore, #tpu.memory_space<semaphore_mem>>) src(%dma_wait3A_66 : memref<128xi32, #tpu.memory_space<hbm>>) dst(%arg10 : memref<128xi32, #tpu.memory_space<vmem>>)
        tpu.yield
      }) : () -> ()
      %dma_start3A_55 = arith.constant 0 : i32
      %dma_start3A_56 = arith.constant 0 : i32
      %dma_start3A_57 = tpu.memref_slice %arg4[%dma_start3A_55, %dma_start3A_56] : memref<10112x128xf32, #tpu.memory_space<hbm>> -> memref<10112x128xf32, #tpu.memory_space<hbm>>
      tpu.enqueue_indirect_dma source(%dma_start3A_57 : memref<10112x128xf32, #tpu.memory_space<hbm>>) target(%arg12 : memref<128x128xf32, #tpu.memory_space<vmem>>) offsets(%arg9 : memref<128xi32, #tpu.memory_space<vmem>>) semaphore(%arg15 : memref<!tpu.dma_semaphore, #tpu.memory_space<semaphore_mem>>)
      %dma_wait3A = arith.constant 0 : i32
      %dma_wait3A_58 = arith.constant 0 : i32
      %dma_wait3A_59 = tpu.memref_slice %arg4[%dma_wait3A, %dma_wait3A_58] : memref<10112x128xf32, #tpu.memory_space<hbm>> -> memref<10112x128xf32, #tpu.memory_space<hbm>>
      tpu.wait_indirect_dma semaphore(%arg14 : memref<!tpu.dma_semaphore, #tpu.memory_space<semaphore_mem>>) src(%dma_wait3A_59 : memref<10112x128xf32, #tpu.memory_space<hbm>>) dst(%arg11 : memref<128x128xf32, #tpu.memory_space<vmem>>)
      "tpu.region"() ({
        %run_scoped3A = tpu.sem_alloc : memref<!tpu.dma_semaphore, #tpu.memory_space<semaphore_mem>>
        %dma_start3A_63 = arith.constant 0 : i32
        %dma_start3A_64 = arith.constant 0 : i32
        %dma_start3A_65 = tpu.memref_slice %arg13[%dma_start3A_63, %dma_start3A_64] : memref<10112x128xf32, #tpu.memory_space<vmem_shared>> -> memref<10112x128xf32, #tpu.memory_space<vmem_shared>>
        tpu.enqueue_indirect_dma source(%arg11 : memref<128x128xf32, #tpu.memory_space<vmem>>) target(%dma_start3A_65 : memref<10112x128xf32, #tpu.memory_space<vmem_shared>>) offsets(%arg8 : memref<128xi32, #tpu.memory_space<vmem>>) semaphore(%run_scoped3A : memref<!tpu.dma_semaphore, #tpu.memory_space<semaphore_mem>>) {add = true}
        %dma_wait3A_66 = arith.constant 0 : i32
        %dma_wait3A_67 = arith.constant 0 : i32
        %dma_wait3A_68 = tpu.memref_slice %arg13[%dma_wait3A_66, %dma_wait3A_67] : memref<10112x128xf32, #tpu.memory_space<vmem_shared>> -> memref<10112x128xf32, #tpu.memory_space<vmem_shared>>
        tpu.wait_indirect_dma semaphore(%run_scoped3A : memref<!tpu.dma_semaphore, #tpu.memory_space<semaphore_mem>>) src(%arg11 : memref<128x128xf32, #tpu.memory_space<vmem>>) dst(%dma_wait3A_68 : memref<10112x128xf32, #tpu.memory_space<vmem_shared>>)
        tpu.yield
      }) : () -> ()
      %dma_wait3A_60 = arith.constant 0 : i32
      %dma_wait3A_61 = arith.constant 0 : i32
      %dma_wait3A_62 = tpu.memref_slice %arg4[%dma_wait3A_60, %dma_wait3A_61] : memref<10112x128xf32, #tpu.memory_space<hbm>> -> memref<10112x128xf32, #tpu.memory_space<hbm>>
      tpu.wait_indirect_dma semaphore(%arg15 : memref<!tpu.dma_semaphore, #tpu.memory_space<semaphore_mem>>) src(%dma_wait3A_62 : memref<10112x128xf32, #tpu.memory_space<hbm>>) dst(%arg12 : memref<128x128xf32, #tpu.memory_space<vmem>>)
      "tpu.region"() ({
        %run_scoped3A = tpu.sem_alloc : memref<!tpu.dma_semaphore, #tpu.memory_space<semaphore_mem>>
        %dma_start3A_63 = arith.constant 0 : i32
        %dma_start3A_64 = arith.constant 0 : i32
        %dma_start3A_65 = tpu.memref_slice %arg13[%dma_start3A_63, %dma_start3A_64] : memref<10112x128xf32, #tpu.memory_space<vmem_shared>> -> memref<10112x128xf32, #tpu.memory_space<vmem_shared>>
        tpu.enqueue_indirect_dma source(%arg12 : memref<128x128xf32, #tpu.memory_space<vmem>>) target(%dma_start3A_65 : memref<10112x128xf32, #tpu.memory_space<vmem_shared>>) offsets(%arg10 : memref<128xi32, #tpu.memory_space<vmem>>) semaphore(%run_scoped3A : memref<!tpu.dma_semaphore, #tpu.memory_space<semaphore_mem>>) {add = true}
        %dma_wait3A_66 = arith.constant 0 : i32
        %dma_wait3A_67 = arith.constant 0 : i32
        %dma_wait3A_68 = tpu.memref_slice %arg13[%dma_wait3A_66, %dma_wait3A_67] : memref<10112x128xf32, #tpu.memory_space<vmem_shared>> -> memref<10112x128xf32, #tpu.memory_space<vmem_shared>>
        tpu.wait_indirect_dma semaphore(%run_scoped3A : memref<!tpu.dma_semaphore, #tpu.memory_space<semaphore_mem>>) src(%arg12 : memref<128x128xf32, #tpu.memory_space<vmem>>) dst(%dma_wait3A_68 : memref<10112x128xf32, #tpu.memory_space<vmem_shared>>)
        tpu.yield
      }) : () -> ()
    }
    %barrier3A_32 = arith.constant 0 : index
    tpu.barrier barrier_id(%barrier3A_32)
    %mul3A_33 = arith.constant 632 : i32
    %mul3A_34 = arith.muli %arg1, %mul3A_33 : i32
    %mul3A_35 = arith.constant 632 : i32
    %mul3A_36 = arith.muli %arg1, %mul3A_35 : i32
    "tpu.region"() ({
      %run_scoped3A = tpu.sem_alloc : memref<!tpu.dma_semaphore, #tpu.memory_space<semaphore_mem>>
      %dma_start3A = arith.constant 0 : i32
      %dma_start3A_37 = tpu.memref_slice %arg6[%arg0, %mul3A_36, %dma_start3A] : memref<2x10112x128xf32, #tpu.memory_space<hbm>> -> memref<1x632x128xf32, #tpu.memory_space<hbm>>
      %dma_start3A_38 = tpu.memref_squeeze %dma_start3A_37 : memref<1x632x128xf32, #tpu.memory_space<hbm>> -> memref<632x128xf32, #tpu.memory_space<hbm>>
      %dma_start3A_39 = arith.constant 0 : i32
      %dma_start3A_40 = tpu.memref_slice %arg13[%mul3A_34, %dma_start3A_39] : memref<10112x128xf32, #tpu.memory_space<vmem_shared>> -> memref<632x128xf32, #tpu.memory_space<vmem_shared>>
      tpu.enqueue_dma source(%dma_start3A_40 : memref<632x128xf32, #tpu.memory_space<vmem_shared>>) target(%dma_start3A_38 : memref<632x128xf32, #tpu.memory_space<hbm>>) target_semaphore(%run_scoped3A : memref<!tpu.dma_semaphore, #tpu.memory_space<semaphore_mem>>)
      %dma_wait3A = arith.constant 0 : i32
      %dma_wait3A_41 = tpu.memref_slice %arg6[%arg0, %mul3A_36, %dma_wait3A] : memref<2x10112x128xf32, #tpu.memory_space<hbm>> -> memref<1x632x128xf32, #tpu.memory_space<hbm>>
      %dma_wait3A_42 = tpu.memref_squeeze %dma_wait3A_41 : memref<1x632x128xf32, #tpu.memory_space<hbm>> -> memref<632x128xf32, #tpu.memory_space<hbm>>
      %dma_wait3A_43 = arith.constant 0 : i32
      %dma_wait3A_44 = tpu.memref_slice %arg13[%mul3A_34, %dma_wait3A_43] : memref<10112x128xf32, #tpu.memory_space<vmem_shared>> -> memref<632x128xf32, #tpu.memory_space<vmem_shared>>
      tpu.wait_dma2 semaphore(%run_scoped3A : memref<!tpu.dma_semaphore, #tpu.memory_space<semaphore_mem>>) src(%dma_wait3A_44 : memref<632x128xf32, #tpu.memory_space<vmem_shared>>) dst(%dma_wait3A_42 : memref<632x128xf32, #tpu.memory_space<hbm>>)
      tpu.yield
    }) : () -> ()
    return
  }
}

#map = affine_map<(d0, d1) -> (0)>
#map1 = affine_map<(d0, d1) -> (0, 0)>
#map2 = affine_map<(d0, d1) -> (0, 0, 0)>
module attributes {stable_mosaic.version = 14 : i64} {
  func.func @deg_kernel(%arg0: i32, %arg1: i32, %arg2: memref<323712xi32, #tpu.memory_space<hbm>>, %arg3: memref<128x128xf32, #tpu.memory_space<hbm>>, %arg4: memref<632x128xf32, #tpu.memory_space<hbm>>, %arg5: memref<2x10112x128xf32, #tpu.memory_space<hbm>>, %arg6: memref<128xi32, #tpu.memory_space<vmem>>, %arg7: memref<128x128xf32, #tpu.memory_space<vmem>>, %arg8: memref<10112x128xf32, #tpu.memory_space<vmem_shared>>) attributes {dimension_semantics = [#tpu.dimension_semantics<core_parallel>, #tpu.dimension_semantics<subcore_parallel>], iteration_bounds = array<i64: 2, 16>, scalar_prefetch = 0 : i64, scratch_operands = 3 : i64, tpu.core_type = #tpu.core_type<sc_vector_subcore>, window_params = [{transform_indices = #map}, {transform_indices = #map1}, {transform_indices = #map1}, {transform_indices = #map2}]} {
    %mul3A = arith.constant 632 : i32
    %mul3A_0 = arith.muli %arg1, %mul3A : i32
    "tpu.region"() ({
      %run_scoped3A = tpu.sem_alloc : memref<!tpu.dma_semaphore, #tpu.memory_space<semaphore_mem>>
      %dma_start3A = arith.constant 0 : i32
      %dma_start3A_37 = tpu.memref_slice %arg8[%mul3A_0, %dma_start3A] : memref<10112x128xf32, #tpu.memory_space<vmem_shared>> -> memref<632x128xf32, #tpu.memory_space<vmem_shared>>
      tpu.enqueue_dma source(%arg4 : memref<632x128xf32, #tpu.memory_space<hbm>>) target(%dma_start3A_37 : memref<632x128xf32, #tpu.memory_space<vmem_shared>>) target_semaphore(%run_scoped3A : memref<!tpu.dma_semaphore, #tpu.memory_space<semaphore_mem>>)
      %dma_wait3A = arith.constant 0 : i32
      %dma_wait3A_38 = tpu.memref_slice %arg8[%mul3A_0, %dma_wait3A] : memref<10112x128xf32, #tpu.memory_space<vmem_shared>> -> memref<632x128xf32, #tpu.memory_space<vmem_shared>>
      tpu.wait_dma2 semaphore(%run_scoped3A : memref<!tpu.dma_semaphore, #tpu.memory_space<semaphore_mem>>) src(%arg4 : memref<632x128xf32, #tpu.memory_space<hbm>>) dst(%dma_wait3A_38 : memref<632x128xf32, #tpu.memory_space<vmem_shared>>)
      tpu.yield
    }) : () -> ()
    "tpu.region"() ({
      %run_scoped3A = tpu.sem_alloc : memref<!tpu.dma_semaphore, #tpu.memory_space<semaphore_mem>>
      tpu.enqueue_dma source(%arg3 : memref<128x128xf32, #tpu.memory_space<hbm>>) target(%arg7 : memref<128x128xf32, #tpu.memory_space<vmem>>) target_semaphore(%run_scoped3A : memref<!tpu.dma_semaphore, #tpu.memory_space<semaphore_mem>>)
      tpu.wait_dma2 semaphore(%run_scoped3A : memref<!tpu.dma_semaphore, #tpu.memory_space<semaphore_mem>>) src(%arg3 : memref<128x128xf32, #tpu.memory_space<hbm>>) dst(%arg7 : memref<128x128xf32, #tpu.memory_space<vmem>>)
      tpu.yield
    }) : () -> ()
    %barrier3A = arith.constant 0 : index
    tpu.barrier barrier_id(%barrier3A)
    %eq3A = arith.constant 0 : i32
    %eq3A_1 = arith.cmpi eq, %arg0, %eq3A : i32
    %select_n3A = arith.constant 78 : i32
    %select_n3A_2 = arith.constant 79 : i32
    %select_n3A_3 = arith.select %eq3A_1, %select_n3A_2, %select_n3A : i32
    %eq3A_4 = arith.constant 0 : i32
    %eq3A_5 = arith.cmpi eq, %arg0, %eq3A_4 : i32
    %mul3A_6 = arith.constant 79 : i32
    %mul3A_7 = arith.muli %arg1, %mul3A_6 : i32
    %mul3A_8 = arith.constant 128 : i32
    %mul3A_9 = arith.muli %mul3A_7, %mul3A_8 : i32
    %mul3A_10 = arith.constant 78 : i32
    %mul3A_11 = arith.muli %arg1, %mul3A_10 : i32
    %mul3A_12 = arith.constant 128 : i32
    %mul3A_13 = arith.muli %mul3A_11, %mul3A_12 : i32
    %add3A = arith.constant 161792 : i32
    %add3A_14 = arith.addi %add3A, %mul3A_13 : i32
    %select_n3A_15 = arith.select %eq3A_5, %mul3A_9, %add3A_14 : i32
    %sub3A = arith.constant 0 : i32
    %sub3A_16 = arith.subi %select_n3A_3, %sub3A : i32
    %sub3A_17 = arith.constant 1 : i32
    %sub3A_18 = arith.constant 1 : i32
    %sub3A_19 = arith.subi %sub3A_17, %sub3A_18 : i32
    %add3A_20 = arith.addi %sub3A_16, %sub3A_19 : i32
    %div3A = arith.constant 1 : i32
    %div3A_21 = arith.divsi %add3A_20, %div3A : i32
    %while3A = arith.constant 1 : i32
    %while3A_22 = arith.constant 0 : i32
    %while3A_23 = arith.constant 0 : i32
    %while3A_24 = arith.subi %div3A_21, %while3A_23 : i32
    %while3A_25 = arith.addi %while3A_23, %while3A_24 : i32
    %while3A_26 = arith.constant 1 : i32
    %while3A_27 = arith.divsi %while3A_24, %while3A_26 : i32
    %while3A_28 = arith.muli %while3A_27, %while3A_26 : i32
    %while3A_29 = arith.addi %while3A_23, %while3A_28 : i32
    %while3A_30 = arith.constant 1 : i32
    scf.for %while3A_37 = %while3A_23 to %while3A_29 step %while3A_30  : i32 {
      %mul3A_38 = arith.muli %while3A_37, %while3A : i32
      %add3A_39 = arith.addi %while3A_22, %mul3A_38 : i32
      %mul3A_40 = arith.constant 128 : i32
      %mul3A_41 = arith.muli %add3A_39, %mul3A_40 : i32
      %add3A_42 = arith.addi %select_n3A_15, %mul3A_41 : i32
      %multiple_of3A = tpu.assume_multiple %add3A_42, 128 : i32
      "tpu.region"() ({
        %run_scoped3A = tpu.sem_alloc : memref<!tpu.dma_semaphore, #tpu.memory_space<semaphore_mem>>
        %dma_start3A = tpu.memref_slice %arg2[%multiple_of3A] : memref<323712xi32, #tpu.memory_space<hbm>> -> memref<128xi32, #tpu.memory_space<hbm>>
        %dma_start3A_43 = tpu.memref_slice %arg2[%multiple_of3A] : memref<323712xi32, #tpu.memory_space<hbm>> -> memref<128xi32, #tpu.memory_space<hbm>>
        tpu.enqueue_dma source(%dma_start3A_43 : memref<128xi32, #tpu.memory_space<hbm>>) target(%arg6 : memref<128xi32, #tpu.memory_space<vmem>>) target_semaphore(%run_scoped3A : memref<!tpu.dma_semaphore, #tpu.memory_space<semaphore_mem>>)
        %dma_wait3A = tpu.memref_slice %arg2[%multiple_of3A] : memref<323712xi32, #tpu.memory_space<hbm>> -> memref<128xi32, #tpu.memory_space<hbm>>
        %dma_wait3A_44 = tpu.memref_slice %arg2[%multiple_of3A] : memref<323712xi32, #tpu.memory_space<hbm>> -> memref<128xi32, #tpu.memory_space<hbm>>
        tpu.wait_dma2 semaphore(%run_scoped3A : memref<!tpu.dma_semaphore, #tpu.memory_space<semaphore_mem>>) src(%dma_wait3A_44 : memref<128xi32, #tpu.memory_space<hbm>>) dst(%arg6 : memref<128xi32, #tpu.memory_space<vmem>>)
        tpu.yield
      }) : () -> ()
      "tpu.region"() ({
        %run_scoped3A = tpu.sem_alloc : memref<!tpu.dma_semaphore, #tpu.memory_space<semaphore_mem>>
        %dma_start3A = arith.constant 0 : i32
        %dma_start3A_43 = arith.constant 0 : i32
        %dma_start3A_44 = tpu.memref_slice %arg8[%dma_start3A, %dma_start3A_43] : memref<10112x128xf32, #tpu.memory_space<vmem_shared>> -> memref<10112x128xf32, #tpu.memory_space<vmem_shared>>
        tpu.enqueue_indirect_dma source(%arg7 : memref<128x128xf32, #tpu.memory_space<vmem>>) target(%dma_start3A_44 : memref<10112x128xf32, #tpu.memory_space<vmem_shared>>) offsets(%arg6 : memref<128xi32, #tpu.memory_space<vmem>>) semaphore(%run_scoped3A : memref<!tpu.dma_semaphore, #tpu.memory_space<semaphore_mem>>) {add = true}
        %dma_wait3A = arith.constant 0 : i32
        %dma_wait3A_45 = arith.constant 0 : i32
        %dma_wait3A_46 = tpu.memref_slice %arg8[%dma_wait3A, %dma_wait3A_45] : memref<10112x128xf32, #tpu.memory_space<vmem_shared>> -> memref<10112x128xf32, #tpu.memory_space<vmem_shared>>
        tpu.wait_indirect_dma semaphore(%run_scoped3A : memref<!tpu.dma_semaphore, #tpu.memory_space<semaphore_mem>>) src(%arg7 : memref<128x128xf32, #tpu.memory_space<vmem>>) dst(%dma_wait3A_46 : memref<10112x128xf32, #tpu.memory_space<vmem_shared>>)
        tpu.yield
      }) : () -> ()
    }
    %while3A_31 = arith.constant 1 : i32
    scf.for %while3A_37 = %while3A_29 to %while3A_25 step %while3A_31  : i32 {
      %mul3A_38 = arith.muli %while3A_37, %while3A : i32
      %add3A_39 = arith.addi %while3A_22, %mul3A_38 : i32
      %mul3A_40 = arith.constant 128 : i32
      %mul3A_41 = arith.muli %add3A_39, %mul3A_40 : i32
      %add3A_42 = arith.addi %select_n3A_15, %mul3A_41 : i32
      %multiple_of3A = tpu.assume_multiple %add3A_42, 128 : i32
      "tpu.region"() ({
        %run_scoped3A = tpu.sem_alloc : memref<!tpu.dma_semaphore, #tpu.memory_space<semaphore_mem>>
        %dma_start3A = tpu.memref_slice %arg2[%multiple_of3A] : memref<323712xi32, #tpu.memory_space<hbm>> -> memref<128xi32, #tpu.memory_space<hbm>>
        %dma_start3A_43 = tpu.memref_slice %arg2[%multiple_of3A] : memref<323712xi32, #tpu.memory_space<hbm>> -> memref<128xi32, #tpu.memory_space<hbm>>
        tpu.enqueue_dma source(%dma_start3A_43 : memref<128xi32, #tpu.memory_space<hbm>>) target(%arg6 : memref<128xi32, #tpu.memory_space<vmem>>) target_semaphore(%run_scoped3A : memref<!tpu.dma_semaphore, #tpu.memory_space<semaphore_mem>>)
        %dma_wait3A = tpu.memref_slice %arg2[%multiple_of3A] : memref<323712xi32, #tpu.memory_space<hbm>> -> memref<128xi32, #tpu.memory_space<hbm>>
        %dma_wait3A_44 = tpu.memref_slice %arg2[%multiple_of3A] : memref<323712xi32, #tpu.memory_space<hbm>> -> memref<128xi32, #tpu.memory_space<hbm>>
        tpu.wait_dma2 semaphore(%run_scoped3A : memref<!tpu.dma_semaphore, #tpu.memory_space<semaphore_mem>>) src(%dma_wait3A_44 : memref<128xi32, #tpu.memory_space<hbm>>) dst(%arg6 : memref<128xi32, #tpu.memory_space<vmem>>)
        tpu.yield
      }) : () -> ()
      "tpu.region"() ({
        %run_scoped3A = tpu.sem_alloc : memref<!tpu.dma_semaphore, #tpu.memory_space<semaphore_mem>>
        %dma_start3A = arith.constant 0 : i32
        %dma_start3A_43 = arith.constant 0 : i32
        %dma_start3A_44 = tpu.memref_slice %arg8[%dma_start3A, %dma_start3A_43] : memref<10112x128xf32, #tpu.memory_space<vmem_shared>> -> memref<10112x128xf32, #tpu.memory_space<vmem_shared>>
        tpu.enqueue_indirect_dma source(%arg7 : memref<128x128xf32, #tpu.memory_space<vmem>>) target(%dma_start3A_44 : memref<10112x128xf32, #tpu.memory_space<vmem_shared>>) offsets(%arg6 : memref<128xi32, #tpu.memory_space<vmem>>) semaphore(%run_scoped3A : memref<!tpu.dma_semaphore, #tpu.memory_space<semaphore_mem>>) {add = true}
        %dma_wait3A = arith.constant 0 : i32
        %dma_wait3A_45 = arith.constant 0 : i32
        %dma_wait3A_46 = tpu.memref_slice %arg8[%dma_wait3A, %dma_wait3A_45] : memref<10112x128xf32, #tpu.memory_space<vmem_shared>> -> memref<10112x128xf32, #tpu.memory_space<vmem_shared>>
        tpu.wait_indirect_dma semaphore(%run_scoped3A : memref<!tpu.dma_semaphore, #tpu.memory_space<semaphore_mem>>) src(%arg7 : memref<128x128xf32, #tpu.memory_space<vmem>>) dst(%dma_wait3A_46 : memref<10112x128xf32, #tpu.memory_space<vmem_shared>>)
        tpu.yield
      }) : () -> ()
    }
    %barrier3A_32 = arith.constant 0 : index
    tpu.barrier barrier_id(%barrier3A_32)
    %mul3A_33 = arith.constant 632 : i32
    %mul3A_34 = arith.muli %arg1, %mul3A_33 : i32
    %mul3A_35 = arith.constant 632 : i32
    %mul3A_36 = arith.muli %arg1, %mul3A_35 : i32
    "tpu.region"() ({
      %run_scoped3A = tpu.sem_alloc : memref<!tpu.dma_semaphore, #tpu.memory_space<semaphore_mem>>
      %dma_start3A = arith.constant 0 : i32
      %dma_start3A_37 = tpu.memref_slice %arg5[%arg0, %mul3A_36, %dma_start3A] : memref<2x10112x128xf32, #tpu.memory_space<hbm>> -> memref<1x632x128xf32, #tpu.memory_space<hbm>>
      %dma_start3A_38 = tpu.memref_squeeze %dma_start3A_37 : memref<1x632x128xf32, #tpu.memory_space<hbm>> -> memref<632x128xf32, #tpu.memory_space<hbm>>
      %dma_start3A_39 = arith.constant 0 : i32
      %dma_start3A_40 = tpu.memref_slice %arg8[%mul3A_34, %dma_start3A_39] : memref<10112x128xf32, #tpu.memory_space<vmem_shared>> -> memref<632x128xf32, #tpu.memory_space<vmem_shared>>
      tpu.enqueue_dma source(%dma_start3A_40 : memref<632x128xf32, #tpu.memory_space<vmem_shared>>) target(%dma_start3A_38 : memref<632x128xf32, #tpu.memory_space<hbm>>) target_semaphore(%run_scoped3A : memref<!tpu.dma_semaphore, #tpu.memory_space<semaphore_mem>>)
      %dma_wait3A = arith.constant 0 : i32
      %dma_wait3A_41 = tpu.memref_slice %arg5[%arg0, %mul3A_36, %dma_wait3A] : memref<2x10112x128xf32, #tpu.memory_space<hbm>> -> memref<1x632x128xf32, #tpu.memory_space<hbm>>
      %dma_wait3A_42 = tpu.memref_squeeze %dma_wait3A_41 : memref<1x632x128xf32, #tpu.memory_space<hbm>> -> memref<632x128xf32, #tpu.memory_space<hbm>>
      %dma_wait3A_43 = arith.constant 0 : i32
      %dma_wait3A_44 = tpu.memref_slice %arg8[%mul3A_34, %dma_wait3A_43] : memref<10112x128xf32, #tpu.memory_space<vmem_shared>> -> memref<632x128xf32, #tpu.memory_space<vmem_shared>>
      tpu.wait_dma2 semaphore(%run_scoped3A : memref<!tpu.dma_semaphore, #tpu.memory_space<semaphore_mem>>) src(%dma_wait3A_44 : memref<632x128xf32, #tpu.memory_space<vmem_shared>>) dst(%dma_wait3A_42 : memref<632x128xf32, #tpu.memory_space<hbm>>)
      tpu.yield
    }) : () -> ()
    return
  }
}

#map = affine_map<(d0, d1) -> (0)>
#map1 = affine_map<(d0, d1) -> (0, 0)>
#map2 = affine_map<(d0, d1) -> (0, 0, 0)>
module attributes {stable_mosaic.version = 14 : i64} {
  func.func @scat_kernel(%arg0: i32, %arg1: i32, %arg2: memref<323712xi32, #tpu.memory_space<hbm>>, %arg3: memref<323712xi32, #tpu.memory_space<hbm>>, %arg4: memref<10112x128xf32, #tpu.memory_space<hbm>>, %arg5: memref<632x128xf32, #tpu.memory_space<hbm>>, %arg6: memref<2x10112x128xf32, #tpu.memory_space<hbm>>, %arg7: memref<128xi32, #tpu.memory_space<vmem>>, %arg8: memref<128xi32, #tpu.memory_space<vmem>>, %arg9: memref<128xi32, #tpu.memory_space<vmem>>, %arg10: memref<128xi32, #tpu.memory_space<vmem>>, %arg11: memref<128x128xf32, #tpu.memory_space<vmem>>, %arg12: memref<128x128xf32, #tpu.memory_space<vmem>>, %arg13: memref<10112x128xf32, #tpu.memory_space<vmem_shared>>, %arg14: memref<!tpu.dma_semaphore, #tpu.memory_space<semaphore_mem>>, %arg15: memref<!tpu.dma_semaphore, #tpu.memory_space<semaphore_mem>>) attributes {dimension_semantics = [#tpu.dimension_semantics<core_parallel>, #tpu.dimension_semantics<subcore_parallel>], iteration_bounds = array<i64: 2, 16>, scalar_prefetch = 0 : i64, scratch_operands = 9 : i64, tpu.core_type = #tpu.core_type<sc_vector_subcore>, window_params = [{transform_indices = #map}, {transform_indices = #map}, {transform_indices = #map1}, {transform_indices = #map1}, {transform_indices = #map2}]} {
    %mul3A = arith.constant 632 : i32
    %mul3A_0 = arith.muli %arg1, %mul3A : i32
    "tpu.region"() ({
      %run_scoped3A = tpu.sem_alloc : memref<!tpu.dma_semaphore, #tpu.memory_space<semaphore_mem>>
      %dma_start3A = arith.constant 0 : i32
      %dma_start3A_37 = tpu.memref_slice %arg13[%mul3A_0, %dma_start3A] : memref<10112x128xf32, #tpu.memory_space<vmem_shared>> -> memref<632x128xf32, #tpu.memory_space<vmem_shared>>
      tpu.enqueue_dma source(%arg5 : memref<632x128xf32, #tpu.memory_space<hbm>>) target(%dma_start3A_37 : memref<632x128xf32, #tpu.memory_space<vmem_shared>>) target_semaphore(%run_scoped3A : memref<!tpu.dma_semaphore, #tpu.memory_space<semaphore_mem>>)
      %dma_wait3A = arith.constant 0 : i32
      %dma_wait3A_38 = tpu.memref_slice %arg13[%mul3A_0, %dma_wait3A] : memref<10112x128xf32, #tpu.memory_space<vmem_shared>> -> memref<632x128xf32, #tpu.memory_space<vmem_shared>>
      tpu.wait_dma2 semaphore(%run_scoped3A : memref<!tpu.dma_semaphore, #tpu.memory_space<semaphore_mem>>) src(%arg5 : memref<632x128xf32, #tpu.memory_space<hbm>>) dst(%dma_wait3A_38 : memref<632x128xf32, #tpu.memory_space<vmem_shared>>)
      tpu.yield
    }) : () -> ()
    %barrier3A = arith.constant 0 : index
    tpu.barrier barrier_id(%barrier3A)
    %eq3A = arith.constant 0 : i32
    %eq3A_1 = arith.cmpi eq, %arg0, %eq3A : i32
    %select_n3A = arith.constant 20 : i32
    %select_n3A_2 = arith.constant 59 : i32
    %select_n3A_3 = arith.select %eq3A_1, %select_n3A_2, %select_n3A : i32
    %eq3A_4 = arith.constant 0 : i32
    %eq3A_5 = arith.cmpi eq, %arg0, %eq3A_4 : i32
    %mul3A_6 = arith.constant 118 : i32
    %mul3A_7 = arith.muli %arg1, %mul3A_6 : i32
    %mul3A_8 = arith.constant 128 : i32
    %mul3A_9 = arith.muli %mul3A_7, %mul3A_8 : i32
    %mul3A_10 = arith.constant 40 : i32
    %mul3A_11 = arith.muli %arg1, %mul3A_10 : i32
    %mul3A_12 = arith.constant 128 : i32
    %mul3A_13 = arith.muli %mul3A_11, %mul3A_12 : i32
    %add3A = arith.constant 241664 : i32
    %add3A_14 = arith.addi %add3A, %mul3A_13 : i32
    %select_n3A_15 = arith.select %eq3A_5, %mul3A_9, %add3A_14 : i32
    %sub3A = arith.constant 0 : i32
    %sub3A_16 = arith.subi %select_n3A_3, %sub3A : i32
    %sub3A_17 = arith.constant 1 : i32
    %sub3A_18 = arith.constant 1 : i32
    %sub3A_19 = arith.subi %sub3A_17, %sub3A_18 : i32
    %add3A_20 = arith.addi %sub3A_16, %sub3A_19 : i32
    %div3A = arith.constant 1 : i32
    %div3A_21 = arith.divsi %add3A_20, %div3A : i32
    %while3A = arith.constant 1 : i32
    %while3A_22 = arith.constant 0 : i32
    %while3A_23 = arith.constant 0 : i32
    %while3A_24 = arith.subi %div3A_21, %while3A_23 : i32
    %while3A_25 = arith.addi %while3A_23, %while3A_24 : i32
    %while3A_26 = arith.constant 1 : i32
    %while3A_27 = arith.divsi %while3A_24, %while3A_26 : i32
    %while3A_28 = arith.muli %while3A_27, %while3A_26 : i32
    %while3A_29 = arith.addi %while3A_23, %while3A_28 : i32
    %while3A_30 = arith.constant 1 : i32
    scf.for %while3A_37 = %while3A_23 to %while3A_29 step %while3A_30  : i32 {
      %mul3A_38 = arith.muli %while3A_37, %while3A : i32
      %add3A_39 = arith.addi %while3A_22, %mul3A_38 : i32
      %mul3A_40 = arith.constant 2 : i32
      %mul3A_41 = arith.muli %mul3A_40, %add3A_39 : i32
      %mul3A_42 = arith.constant 128 : i32
      %mul3A_43 = arith.muli %mul3A_41, %mul3A_42 : i32
      %add3A_44 = arith.addi %select_n3A_15, %mul3A_43 : i32
      %multiple_of3A = tpu.assume_multiple %add3A_44, 128 : i32
      "tpu.region"() ({
        %run_scoped3A = tpu.sem_alloc : memref<!tpu.dma_semaphore, #tpu.memory_space<semaphore_mem>>
        %dma_start3A_63 = tpu.memref_slice %arg2[%multiple_of3A] : memref<323712xi32, #tpu.memory_space<hbm>> -> memref<128xi32, #tpu.memory_space<hbm>>
        %dma_start3A_64 = tpu.memref_slice %arg2[%multiple_of3A] : memref<323712xi32, #tpu.memory_space<hbm>> -> memref<128xi32, #tpu.memory_space<hbm>>
        tpu.enqueue_dma source(%dma_start3A_64 : memref<128xi32, #tpu.memory_space<hbm>>) target(%arg7 : memref<128xi32, #tpu.memory_space<vmem>>) target_semaphore(%run_scoped3A : memref<!tpu.dma_semaphore, #tpu.memory_space<semaphore_mem>>)
        %dma_wait3A_65 = tpu.memref_slice %arg2[%multiple_of3A] : memref<323712xi32, #tpu.memory_space<hbm>> -> memref<128xi32, #tpu.memory_space<hbm>>
        %dma_wait3A_66 = tpu.memref_slice %arg2[%multiple_of3A] : memref<323712xi32, #tpu.memory_space<hbm>> -> memref<128xi32, #tpu.memory_space<hbm>>
        tpu.wait_dma2 semaphore(%run_scoped3A : memref<!tpu.dma_semaphore, #tpu.memory_space<semaphore_mem>>) src(%dma_wait3A_66 : memref<128xi32, #tpu.memory_space<hbm>>) dst(%arg7 : memref<128xi32, #tpu.memory_space<vmem>>)
        tpu.yield
      }) : () -> ()
      "tpu.region"() ({
        %run_scoped3A = tpu.sem_alloc : memref<!tpu.dma_semaphore, #tpu.memory_space<semaphore_mem>>
        %dma_start3A_63 = tpu.memref_slice %arg3[%multiple_of3A] : memref<323712xi32, #tpu.memory_space<hbm>> -> memref<128xi32, #tpu.memory_space<hbm>>
        %dma_start3A_64 = tpu.memref_slice %arg3[%multiple_of3A] : memref<323712xi32, #tpu.memory_space<hbm>> -> memref<128xi32, #tpu.memory_space<hbm>>
        tpu.enqueue_dma source(%dma_start3A_64 : memref<128xi32, #tpu.memory_space<hbm>>) target(%arg8 : memref<128xi32, #tpu.memory_space<vmem>>) target_semaphore(%run_scoped3A : memref<!tpu.dma_semaphore, #tpu.memory_space<semaphore_mem>>)
        %dma_wait3A_65 = tpu.memref_slice %arg3[%multiple_of3A] : memref<323712xi32, #tpu.memory_space<hbm>> -> memref<128xi32, #tpu.memory_space<hbm>>
        %dma_wait3A_66 = tpu.memref_slice %arg3[%multiple_of3A] : memref<323712xi32, #tpu.memory_space<hbm>> -> memref<128xi32, #tpu.memory_space<hbm>>
        tpu.wait_dma2 semaphore(%run_scoped3A : memref<!tpu.dma_semaphore, #tpu.memory_space<semaphore_mem>>) src(%dma_wait3A_66 : memref<128xi32, #tpu.memory_space<hbm>>) dst(%arg8 : memref<128xi32, #tpu.memory_space<vmem>>)
        tpu.yield
      }) : () -> ()
      %dma_start3A = arith.constant 0 : i32
      %dma_start3A_45 = arith.constant 0 : i32
      %dma_start3A_46 = tpu.memref_slice %arg4[%dma_start3A, %dma_start3A_45] : memref<10112x128xf32, #tpu.memory_space<hbm>> -> memref<10112x128xf32, #tpu.memory_space<hbm>>
      tpu.enqueue_indirect_dma source(%dma_start3A_46 : memref<10112x128xf32, #tpu.memory_space<hbm>>) target(%arg11 : memref<128x128xf32, #tpu.memory_space<vmem>>) offsets(%arg7 : memref<128xi32, #tpu.memory_space<vmem>>) semaphore(%arg14 : memref<!tpu.dma_semaphore, #tpu.memory_space<semaphore_mem>>)
      %mul3A_47 = arith.constant 2 : i32
      %mul3A_48 = arith.muli %mul3A_47, %add3A_39 : i32
      %add3A_49 = arith.constant 1 : i32
      %add3A_50 = arith.addi %mul3A_48, %add3A_49 : i32
      %mul3A_51 = arith.constant 128 : i32
      %mul3A_52 = arith.muli %add3A_50, %mul3A_51 : i32
      %add3A_53 = arith.addi %select_n3A_15, %mul3A_52 : i32
      %multiple_of3A_54 = tpu.assume_multiple %add3A_53, 128 : i32
      "tpu.region"() ({
        %run_scoped3A = tpu.sem_alloc : memref<!tpu.dma_semaphore, #tpu.memory_space<semaphore_mem>>
        %dma_start3A_63 = tpu.memref_slice %arg2[%multiple_of3A_54] : memref<323712xi32, #tpu.memory_space<hbm>> -> memref<128xi32, #tpu.memory_space<hbm>>
        %dma_start3A_64 = tpu.memref_slice %arg2[%multiple_of3A_54] : memref<323712xi32, #tpu.memory_space<hbm>> -> memref<128xi32, #tpu.memory_space<hbm>>
        tpu.enqueue_dma source(%dma_start3A_64 : memref<128xi32, #tpu.memory_space<hbm>>) target(%arg9 : memref<128xi32, #tpu.memory_space<vmem>>) target_semaphore(%run_scoped3A : memref<!tpu.dma_semaphore, #tpu.memory_space<semaphore_mem>>)
        %dma_wait3A_65 = tpu.memref_slice %arg2[%multiple_of3A_54] : memref<323712xi32, #tpu.memory_space<hbm>> -> memref<128xi32, #tpu.memory_space<hbm>>
        %dma_wait3A_66 = tpu.memref_slice %arg2[%multiple_of3A_54] : memref<323712xi32, #tpu.memory_space<hbm>> -> memref<128xi32, #tpu.memory_space<hbm>>
        tpu.wait_dma2 semaphore(%run_scoped3A : memref<!tpu.dma_semaphore, #tpu.memory_space<semaphore_mem>>) src(%dma_wait3A_66 : memref<128xi32, #tpu.memory_space<hbm>>) dst(%arg9 : memref<128xi32, #tpu.memory_space<vmem>>)
        tpu.yield
      }) : () -> ()
      "tpu.region"() ({
        %run_scoped3A = tpu.sem_alloc : memref<!tpu.dma_semaphore, #tpu.memory_space<semaphore_mem>>
        %dma_start3A_63 = tpu.memref_slice %arg3[%multiple_of3A_54] : memref<323712xi32, #tpu.memory_space<hbm>> -> memref<128xi32, #tpu.memory_space<hbm>>
        %dma_start3A_64 = tpu.memref_slice %arg3[%multiple_of3A_54] : memref<323712xi32, #tpu.memory_space<hbm>> -> memref<128xi32, #tpu.memory_space<hbm>>
        tpu.enqueue_dma source(%dma_start3A_64 : memref<128xi32, #tpu.memory_space<hbm>>) target(%arg10 : memref<128xi32, #tpu.memory_space<vmem>>) target_semaphore(%run_scoped3A : memref<!tpu.dma_semaphore, #tpu.memory_space<semaphore_mem>>)
        %dma_wait3A_65 = tpu.memref_slice %arg3[%multiple_of3A_54] : memref<323712xi32, #tpu.memory_space<hbm>> -> memref<128xi32, #tpu.memory_space<hbm>>
        %dma_wait3A_66 = tpu.memref_slice %arg3[%multiple_of3A_54] : memref<323712xi32, #tpu.memory_space<hbm>> -> memref<128xi32, #tpu.memory_space<hbm>>
        tpu.wait_dma2 semaphore(%run_scoped3A : memref<!tpu.dma_semaphore, #tpu.memory_space<semaphore_mem>>) src(%dma_wait3A_66 : memref<128xi32, #tpu.memory_space<hbm>>) dst(%arg10 : memref<128xi32, #tpu.memory_space<vmem>>)
        tpu.yield
      }) : () -> ()
      %dma_start3A_55 = arith.constant 0 : i32
      %dma_start3A_56 = arith.constant 0 : i32
      %dma_start3A_57 = tpu.memref_slice %arg4[%dma_start3A_55, %dma_start3A_56] : memref<10112x128xf32, #tpu.memory_space<hbm>> -> memref<10112x128xf32, #tpu.memory_space<hbm>>
      tpu.enqueue_indirect_dma source(%dma_start3A_57 : memref<10112x128xf32, #tpu.memory_space<hbm>>) target(%arg12 : memref<128x128xf32, #tpu.memory_space<vmem>>) offsets(%arg9 : memref<128xi32, #tpu.memory_space<vmem>>) semaphore(%arg15 : memref<!tpu.dma_semaphore, #tpu.memory_space<semaphore_mem>>)
      %dma_wait3A = arith.constant 0 : i32
      %dma_wait3A_58 = arith.constant 0 : i32
      %dma_wait3A_59 = tpu.memref_slice %arg4[%dma_wait3A, %dma_wait3A_58] : memref<10112x128xf32, #tpu.memory_space<hbm>> -> memref<10112x128xf32, #tpu.memory_space<hbm>>
      tpu.wait_indirect_dma semaphore(%arg14 : memref<!tpu.dma_semaphore, #tpu.memory_space<semaphore_mem>>) src(%dma_wait3A_59 : memref<10112x128xf32, #tpu.memory_space<hbm>>) dst(%arg11 : memref<128x128xf32, #tpu.memory_space<vmem>>)
      "tpu.region"() ({
        %run_scoped3A = tpu.sem_alloc : memref<!tpu.dma_semaphore, #tpu.memory_space<semaphore_mem>>
        %dma_start3A_63 = arith.constant 0 : i32
        %dma_start3A_64 = arith.constant 0 : i32
        %dma_start3A_65 = tpu.memref_slice %arg13[%dma_start3A_63, %dma_start3A_64] : memref<10112x128xf32, #tpu.memory_space<vmem_shared>> -> memref<10112x128xf32, #tpu.memory_space<vmem_shared>>
        tpu.enqueue_indirect_dma source(%arg11 : memref<128x128xf32, #tpu.memory_space<vmem>>) target(%dma_start3A_65 : memref<10112x128xf32, #tpu.memory_space<vmem_shared>>) offsets(%arg8 : memref<128xi32, #tpu.memory_space<vmem>>) semaphore(%run_scoped3A : memref<!tpu.dma_semaphore, #tpu.memory_space<semaphore_mem>>) {add = true}
        %dma_wait3A_66 = arith.constant 0 : i32
        %dma_wait3A_67 = arith.constant 0 : i32
        %dma_wait3A_68 = tpu.memref_slice %arg13[%dma_wait3A_66, %dma_wait3A_67] : memref<10112x128xf32, #tpu.memory_space<vmem_shared>> -> memref<10112x128xf32, #tpu.memory_space<vmem_shared>>
        tpu.wait_indirect_dma semaphore(%run_scoped3A : memref<!tpu.dma_semaphore, #tpu.memory_space<semaphore_mem>>) src(%arg11 : memref<128x128xf32, #tpu.memory_space<vmem>>) dst(%dma_wait3A_68 : memref<10112x128xf32, #tpu.memory_space<vmem_shared>>)
        tpu.yield
      }) : () -> ()
      %dma_wait3A_60 = arith.constant 0 : i32
      %dma_wait3A_61 = arith.constant 0 : i32
      %dma_wait3A_62 = tpu.memref_slice %arg4[%dma_wait3A_60, %dma_wait3A_61] : memref<10112x128xf32, #tpu.memory_space<hbm>> -> memref<10112x128xf32, #tpu.memory_space<hbm>>
      tpu.wait_indirect_dma semaphore(%arg15 : memref<!tpu.dma_semaphore, #tpu.memory_space<semaphore_mem>>) src(%dma_wait3A_62 : memref<10112x128xf32, #tpu.memory_space<hbm>>) dst(%arg12 : memref<128x128xf32, #tpu.memory_space<vmem>>)
      "tpu.region"() ({
        %run_scoped3A = tpu.sem_alloc : memref<!tpu.dma_semaphore, #tpu.memory_space<semaphore_mem>>
        %dma_start3A_63 = arith.constant 0 : i32
        %dma_start3A_64 = arith.constant 0 : i32
        %dma_start3A_65 = tpu.memref_slice %arg13[%dma_start3A_63, %dma_start3A_64] : memref<10112x128xf32, #tpu.memory_space<vmem_shared>> -> memref<10112x128xf32, #tpu.memory_space<vmem_shared>>
        tpu.enqueue_indirect_dma source(%arg12 : memref<128x128xf32, #tpu.memory_space<vmem>>) target(%dma_start3A_65 : memref<10112x128xf32, #tpu.memory_space<vmem_shared>>) offsets(%arg10 : memref<128xi32, #tpu.memory_space<vmem>>) semaphore(%run_scoped3A : memref<!tpu.dma_semaphore, #tpu.memory_space<semaphore_mem>>) {add = true}
        %dma_wait3A_66 = arith.constant 0 : i32
        %dma_wait3A_67 = arith.constant 0 : i32
        %dma_wait3A_68 = tpu.memref_slice %arg13[%dma_wait3A_66, %dma_wait3A_67] : memref<10112x128xf32, #tpu.memory_space<vmem_shared>> -> memref<10112x128xf32, #tpu.memory_space<vmem_shared>>
        tpu.wait_indirect_dma semaphore(%run_scoped3A : memref<!tpu.dma_semaphore, #tpu.memory_space<semaphore_mem>>) src(%arg12 : memref<128x128xf32, #tpu.memory_space<vmem>>) dst(%dma_wait3A_68 : memref<10112x128xf32, #tpu.memory_space<vmem_shared>>)
        tpu.yield
      }) : () -> ()
    }
    %while3A_31 = arith.constant 1 : i32
    scf.for %while3A_37 = %while3A_29 to %while3A_25 step %while3A_31  : i32 {
      %mul3A_38 = arith.muli %while3A_37, %while3A : i32
      %add3A_39 = arith.addi %while3A_22, %mul3A_38 : i32
      %mul3A_40 = arith.constant 2 : i32
      %mul3A_41 = arith.muli %mul3A_40, %add3A_39 : i32
      %mul3A_42 = arith.constant 128 : i32
      %mul3A_43 = arith.muli %mul3A_41, %mul3A_42 : i32
      %add3A_44 = arith.addi %select_n3A_15, %mul3A_43 : i32
      %multiple_of3A = tpu.assume_multiple %add3A_44, 128 : i32
      "tpu.region"() ({
        %run_scoped3A = tpu.sem_alloc : memref<!tpu.dma_semaphore, #tpu.memory_space<semaphore_mem>>
        %dma_start3A_63 = tpu.memref_slice %arg2[%multiple_of3A] : memref<323712xi32, #tpu.memory_space<hbm>> -> memref<128xi32, #tpu.memory_space<hbm>>
        %dma_start3A_64 = tpu.memref_slice %arg2[%multiple_of3A] : memref<323712xi32, #tpu.memory_space<hbm>> -> memref<128xi32, #tpu.memory_space<hbm>>
        tpu.enqueue_dma source(%dma_start3A_64 : memref<128xi32, #tpu.memory_space<hbm>>) target(%arg7 : memref<128xi32, #tpu.memory_space<vmem>>) target_semaphore(%run_scoped3A : memref<!tpu.dma_semaphore, #tpu.memory_space<semaphore_mem>>)
        %dma_wait3A_65 = tpu.memref_slice %arg2[%multiple_of3A] : memref<323712xi32, #tpu.memory_space<hbm>> -> memref<128xi32, #tpu.memory_space<hbm>>
        %dma_wait3A_66 = tpu.memref_slice %arg2[%multiple_of3A] : memref<323712xi32, #tpu.memory_space<hbm>> -> memref<128xi32, #tpu.memory_space<hbm>>
        tpu.wait_dma2 semaphore(%run_scoped3A : memref<!tpu.dma_semaphore, #tpu.memory_space<semaphore_mem>>) src(%dma_wait3A_66 : memref<128xi32, #tpu.memory_space<hbm>>) dst(%arg7 : memref<128xi32, #tpu.memory_space<vmem>>)
        tpu.yield
      }) : () -> ()
      "tpu.region"() ({
        %run_scoped3A = tpu.sem_alloc : memref<!tpu.dma_semaphore, #tpu.memory_space<semaphore_mem>>
        %dma_start3A_63 = tpu.memref_slice %arg3[%multiple_of3A] : memref<323712xi32, #tpu.memory_space<hbm>> -> memref<128xi32, #tpu.memory_space<hbm>>
        %dma_start3A_64 = tpu.memref_slice %arg3[%multiple_of3A] : memref<323712xi32, #tpu.memory_space<hbm>> -> memref<128xi32, #tpu.memory_space<hbm>>
        tpu.enqueue_dma source(%dma_start3A_64 : memref<128xi32, #tpu.memory_space<hbm>>) target(%arg8 : memref<128xi32, #tpu.memory_space<vmem>>) target_semaphore(%run_scoped3A : memref<!tpu.dma_semaphore, #tpu.memory_space<semaphore_mem>>)
        %dma_wait3A_65 = tpu.memref_slice %arg3[%multiple_of3A] : memref<323712xi32, #tpu.memory_space<hbm>> -> memref<128xi32, #tpu.memory_space<hbm>>
        %dma_wait3A_66 = tpu.memref_slice %arg3[%multiple_of3A] : memref<323712xi32, #tpu.memory_space<hbm>> -> memref<128xi32, #tpu.memory_space<hbm>>
        tpu.wait_dma2 semaphore(%run_scoped3A : memref<!tpu.dma_semaphore, #tpu.memory_space<semaphore_mem>>) src(%dma_wait3A_66 : memref<128xi32, #tpu.memory_space<hbm>>) dst(%arg8 : memref<128xi32, #tpu.memory_space<vmem>>)
        tpu.yield
      }) : () -> ()
      %dma_start3A = arith.constant 0 : i32
      %dma_start3A_45 = arith.constant 0 : i32
      %dma_start3A_46 = tpu.memref_slice %arg4[%dma_start3A, %dma_start3A_45] : memref<10112x128xf32, #tpu.memory_space<hbm>> -> memref<10112x128xf32, #tpu.memory_space<hbm>>
      tpu.enqueue_indirect_dma source(%dma_start3A_46 : memref<10112x128xf32, #tpu.memory_space<hbm>>) target(%arg11 : memref<128x128xf32, #tpu.memory_space<vmem>>) offsets(%arg7 : memref<128xi32, #tpu.memory_space<vmem>>) semaphore(%arg14 : memref<!tpu.dma_semaphore, #tpu.memory_space<semaphore_mem>>)
      %mul3A_47 = arith.constant 2 : i32
      %mul3A_48 = arith.muli %mul3A_47, %add3A_39 : i32
      %add3A_49 = arith.constant 1 : i32
      %add3A_50 = arith.addi %mul3A_48, %add3A_49 : i32
      %mul3A_51 = arith.constant 128 : i32
      %mul3A_52 = arith.muli %add3A_50, %mul3A_51 : i32
      %add3A_53 = arith.addi %select_n3A_15, %mul3A_52 : i32
      %multiple_of3A_54 = tpu.assume_multiple %add3A_53, 128 : i32
      "tpu.region"() ({
        %run_scoped3A = tpu.sem_alloc : memref<!tpu.dma_semaphore, #tpu.memory_space<semaphore_mem>>
        %dma_start3A_63 = tpu.memref_slice %arg2[%multiple_of3A_54] : memref<323712xi32, #tpu.memory_space<hbm>> -> memref<128xi32, #tpu.memory_space<hbm>>
        %dma_start3A_64 = tpu.memref_slice %arg2[%multiple_of3A_54] : memref<323712xi32, #tpu.memory_space<hbm>> -> memref<128xi32, #tpu.memory_space<hbm>>
        tpu.enqueue_dma source(%dma_start3A_64 : memref<128xi32, #tpu.memory_space<hbm>>) target(%arg9 : memref<128xi32, #tpu.memory_space<vmem>>) target_semaphore(%run_scoped3A : memref<!tpu.dma_semaphore, #tpu.memory_space<semaphore_mem>>)
        %dma_wait3A_65 = tpu.memref_slice %arg2[%multiple_of3A_54] : memref<323712xi32, #tpu.memory_space<hbm>> -> memref<128xi32, #tpu.memory_space<hbm>>
        %dma_wait3A_66 = tpu.memref_slice %arg2[%multiple_of3A_54] : memref<323712xi32, #tpu.memory_space<hbm>> -> memref<128xi32, #tpu.memory_space<hbm>>
        tpu.wait_dma2 semaphore(%run_scoped3A : memref<!tpu.dma_semaphore, #tpu.memory_space<semaphore_mem>>) src(%dma_wait3A_66 : memref<128xi32, #tpu.memory_space<hbm>>) dst(%arg9 : memref<128xi32, #tpu.memory_space<vmem>>)
        tpu.yield
      }) : () -> ()
      "tpu.region"() ({
        %run_scoped3A = tpu.sem_alloc : memref<!tpu.dma_semaphore, #tpu.memory_space<semaphore_mem>>
        %dma_start3A_63 = tpu.memref_slice %arg3[%multiple_of3A_54] : memref<323712xi32, #tpu.memory_space<hbm>> -> memref<128xi32, #tpu.memory_space<hbm>>
        %dma_start3A_64 = tpu.memref_slice %arg3[%multiple_of3A_54] : memref<323712xi32, #tpu.memory_space<hbm>> -> memref<128xi32, #tpu.memory_space<hbm>>
        tpu.enqueue_dma source(%dma_start3A_64 : memref<128xi32, #tpu.memory_space<hbm>>) target(%arg10 : memref<128xi32, #tpu.memory_space<vmem>>) target_semaphore(%run_scoped3A : memref<!tpu.dma_semaphore, #tpu.memory_space<semaphore_mem>>)
        %dma_wait3A_65 = tpu.memref_slice %arg3[%multiple_of3A_54] : memref<323712xi32, #tpu.memory_space<hbm>> -> memref<128xi32, #tpu.memory_space<hbm>>
        %dma_wait3A_66 = tpu.memref_slice %arg3[%multiple_of3A_54] : memref<323712xi32, #tpu.memory_space<hbm>> -> memref<128xi32, #tpu.memory_space<hbm>>
        tpu.wait_dma2 semaphore(%run_scoped3A : memref<!tpu.dma_semaphore, #tpu.memory_space<semaphore_mem>>) src(%dma_wait3A_66 : memref<128xi32, #tpu.memory_space<hbm>>) dst(%arg10 : memref<128xi32, #tpu.memory_space<vmem>>)
        tpu.yield
      }) : () -> ()
      %dma_start3A_55 = arith.constant 0 : i32
      %dma_start3A_56 = arith.constant 0 : i32
      %dma_start3A_57 = tpu.memref_slice %arg4[%dma_start3A_55, %dma_start3A_56] : memref<10112x128xf32, #tpu.memory_space<hbm>> -> memref<10112x128xf32, #tpu.memory_space<hbm>>
      tpu.enqueue_indirect_dma source(%dma_start3A_57 : memref<10112x128xf32, #tpu.memory_space<hbm>>) target(%arg12 : memref<128x128xf32, #tpu.memory_space<vmem>>) offsets(%arg9 : memref<128xi32, #tpu.memory_space<vmem>>) semaphore(%arg15 : memref<!tpu.dma_semaphore, #tpu.memory_space<semaphore_mem>>)
      %dma_wait3A = arith.constant 0 : i32
      %dma_wait3A_58 = arith.constant 0 : i32
      %dma_wait3A_59 = tpu.memref_slice %arg4[%dma_wait3A, %dma_wait3A_58] : memref<10112x128xf32, #tpu.memory_space<hbm>> -> memref<10112x128xf32, #tpu.memory_space<hbm>>
      tpu.wait_indirect_dma semaphore(%arg14 : memref<!tpu.dma_semaphore, #tpu.memory_space<semaphore_mem>>) src(%dma_wait3A_59 : memref<10112x128xf32, #tpu.memory_space<hbm>>) dst(%arg11 : memref<128x128xf32, #tpu.memory_space<vmem>>)
      "tpu.region"() ({
        %run_scoped3A = tpu.sem_alloc : memref<!tpu.dma_semaphore, #tpu.memory_space<semaphore_mem>>
        %dma_start3A_63 = arith.constant 0 : i32
        %dma_start3A_64 = arith.constant 0 : i32
        %dma_start3A_65 = tpu.memref_slice %arg13[%dma_start3A_63, %dma_start3A_64] : memref<10112x128xf32, #tpu.memory_space<vmem_shared>> -> memref<10112x128xf32, #tpu.memory_space<vmem_shared>>
        tpu.enqueue_indirect_dma source(%arg11 : memref<128x128xf32, #tpu.memory_space<vmem>>) target(%dma_start3A_65 : memref<10112x128xf32, #tpu.memory_space<vmem_shared>>) offsets(%arg8 : memref<128xi32, #tpu.memory_space<vmem>>) semaphore(%run_scoped3A : memref<!tpu.dma_semaphore, #tpu.memory_space<semaphore_mem>>) {add = true}
        %dma_wait3A_66 = arith.constant 0 : i32
        %dma_wait3A_67 = arith.constant 0 : i32
        %dma_wait3A_68 = tpu.memref_slice %arg13[%dma_wait3A_66, %dma_wait3A_67] : memref<10112x128xf32, #tpu.memory_space<vmem_shared>> -> memref<10112x128xf32, #tpu.memory_space<vmem_shared>>
        tpu.wait_indirect_dma semaphore(%run_scoped3A : memref<!tpu.dma_semaphore, #tpu.memory_space<semaphore_mem>>) src(%arg11 : memref<128x128xf32, #tpu.memory_space<vmem>>) dst(%dma_wait3A_68 : memref<10112x128xf32, #tpu.memory_space<vmem_shared>>)
        tpu.yield
      }) : () -> ()
      %dma_wait3A_60 = arith.constant 0 : i32
      %dma_wait3A_61 = arith.constant 0 : i32
      %dma_wait3A_62 = tpu.memref_slice %arg4[%dma_wait3A_60, %dma_wait3A_61] : memref<10112x128xf32, #tpu.memory_space<hbm>> -> memref<10112x128xf32, #tpu.memory_space<hbm>>
      tpu.wait_indirect_dma semaphore(%arg15 : memref<!tpu.dma_semaphore, #tpu.memory_space<semaphore_mem>>) src(%dma_wait3A_62 : memref<10112x128xf32, #tpu.memory_space<hbm>>) dst(%arg12 : memref<128x128xf32, #tpu.memory_space<vmem>>)
      "tpu.region"() ({
        %run_scoped3A = tpu.sem_alloc : memref<!tpu.dma_semaphore, #tpu.memory_space<semaphore_mem>>
        %dma_start3A_63 = arith.constant 0 : i32
        %dma_start3A_64 = arith.constant 0 : i32
        %dma_start3A_65 = tpu.memref_slice %arg13[%dma_start3A_63, %dma_start3A_64] : memref<10112x128xf32, #tpu.memory_space<vmem_shared>> -> memref<10112x128xf32, #tpu.memory_space<vmem_shared>>
        tpu.enqueue_indirect_dma source(%arg12 : memref<128x128xf32, #tpu.memory_space<vmem>>) target(%dma_start3A_65 : memref<10112x128xf32, #tpu.memory_space<vmem_shared>>) offsets(%arg10 : memref<128xi32, #tpu.memory_space<vmem>>) semaphore(%run_scoped3A : memref<!tpu.dma_semaphore, #tpu.memory_space<semaphore_mem>>) {add = true}
        %dma_wait3A_66 = arith.constant 0 : i32
        %dma_wait3A_67 = arith.constant 0 : i32
        %dma_wait3A_68 = tpu.memref_slice %arg13[%dma_wait3A_66, %dma_wait3A_67] : memref<10112x128xf32, #tpu.memory_space<vmem_shared>> -> memref<10112x128xf32, #tpu.memory_space<vmem_shared>>
        tpu.wait_indirect_dma semaphore(%run_scoped3A : memref<!tpu.dma_semaphore, #tpu.memory_space<semaphore_mem>>) src(%arg12 : memref<128x128xf32, #tpu.memory_space<vmem>>) dst(%dma_wait3A_68 : memref<10112x128xf32, #tpu.memory_space<vmem_shared>>)
        tpu.yield
      }) : () -> ()
    }
    %barrier3A_32 = arith.constant 0 : index
    tpu.barrier barrier_id(%barrier3A_32)
    %mul3A_33 = arith.constant 632 : i32
    %mul3A_34 = arith.muli %arg1, %mul3A_33 : i32
    %mul3A_35 = arith.constant 632 : i32
    %mul3A_36 = arith.muli %arg1, %mul3A_35 : i32
    "tpu.region"() ({
      %run_scoped3A = tpu.sem_alloc : memref<!tpu.dma_semaphore, #tpu.memory_space<semaphore_mem>>
      %dma_start3A = arith.constant 0 : i32
      %dma_start3A_37 = tpu.memref_slice %arg6[%arg0, %mul3A_36, %dma_start3A] : memref<2x10112x128xf32, #tpu.memory_space<hbm>> -> memref<1x632x128xf32, #tpu.memory_space<hbm>>
      %dma_start3A_38 = tpu.memref_squeeze %dma_start3A_37 : memref<1x632x128xf32, #tpu.memory_space<hbm>> -> memref<632x128xf32, #tpu.memory_space<hbm>>
      %dma_start3A_39 = arith.constant 0 : i32
      %dma_start3A_40 = tpu.memref_slice %arg13[%mul3A_34, %dma_start3A_39] : memref<10112x128xf32, #tpu.memory_space<vmem_shared>> -> memref<632x128xf32, #tpu.memory_space<vmem_shared>>
      tpu.enqueue_dma source(%dma_start3A_40 : memref<632x128xf32, #tpu.memory_space<vmem_shared>>) target(%dma_start3A_38 : memref<632x128xf32, #tpu.memory_space<hbm>>) target_semaphore(%run_scoped3A : memref<!tpu.dma_semaphore, #tpu.memory_space<semaphore_mem>>)
      %dma_wait3A = arith.constant 0 : i32
      %dma_wait3A_41 = tpu.memref_slice %arg6[%arg0, %mul3A_36, %dma_wait3A] : memref<2x10112x128xf32, #tpu.memory_space<hbm>> -> memref<1x632x128xf32, #tpu.memory_space<hbm>>
      %dma_wait3A_42 = tpu.memref_squeeze %dma_wait3A_41 : memref<1x632x128xf32, #tpu.memory_space<hbm>> -> memref<632x128xf32, #tpu.memory_space<hbm>>
      %dma_wait3A_43 = arith.constant 0 : i32
      %dma_wait3A_44 = tpu.memref_slice %arg13[%mul3A_34, %dma_wait3A_43] : memref<10112x128xf32, #tpu.memory_space<vmem_shared>> -> memref<632x128xf32, #tpu.memory_space<vmem_shared>>
      tpu.wait_dma2 semaphore(%run_scoped3A : memref<!tpu.dma_semaphore, #tpu.memory_space<semaphore_mem>>) src(%dma_wait3A_44 : memref<632x128xf32, #tpu.memory_space<vmem_shared>>) dst(%dma_wait3A_42 : memref<632x128xf32, #tpu.memory_space<hbm>>)
      tpu.yield
    }) : () -> ()
    return
  }
}

module attributes {stable_mosaic.version = 14 : i64} {
  func.func @_xw_body(%arg0: memref<10112x128xf32, #tpu.memory_space<vmem>>, %arg1: memref<128x128xf32, #tpu.memory_space<vmem>>, %arg2: memref<10112x128xf32, #tpu.memory_space<vmem>>) attributes {dimension_semantics = [], scalar_prefetch = 0 : i64, scratch_operands = 0 : i64, tpu.core_type = #tpu.core_type<tc>} {
    %get3A = arith.constant 0 : index
    %get3A_0 = arith.constant 0 : index
    %get3A_1 = vector.load %arg0[%get3A, %get3A_0] : memref<10112x128xf32, #tpu.memory_space<vmem>>, vector<10112x128xf32>
    %get3A_2 = arith.constant 0 : index
    %get3A_3 = arith.constant 0 : index
    %get3A_4 = vector.load %arg1[%get3A_2, %get3A_3] : memref<128x128xf32, #tpu.memory_space<vmem>>, vector<128x128xf32>
    %dot_general3A = arith.constant dense<0.000000e+00> : vector<10112x128xf32>
    %dot_general3A_5 = tpu.matmul %get3A_1, %get3A_4, %dot_general3A {dimension_numbers = #tpu.dot_dimension_numbers<[1], [0], [0], [1], [0, 0, 1, 1], [], []>, transpose_lhs_hint = false} : vector<10112x128xf32>, vector<128x128xf32>, vector<10112x128xf32> -> vector<10112x128xf32>
    %swap3A = arith.constant 0 : index
    %swap3A_6 = arith.constant 0 : index
    %swap3A_7 = vector.load %arg2[%swap3A, %swap3A_6] : memref<10112x128xf32, #tpu.memory_space<vmem>>, vector<10112x128xf32>
    tpu.vector_store %arg2[%swap3A, %swap3A_6], %dot_general3A_5 {strides = array<i32>} : memref<10112x128xf32, #tpu.memory_space<vmem>>, vector<10112x128xf32>,
    return
  }
}

module attributes {stable_mosaic.version = 14 : i64} {
  func.func @_scale_body(%arg0: memref<10112x128xf32, #tpu.memory_space<vmem>>, %arg1: memref<2x10112x128xf32, #tpu.memory_space<vmem>>, %arg2: memref<10112x128xf32, #tpu.memory_space<vmem>>) attributes {dimension_semantics = [], scalar_prefetch = 0 : i64, scratch_operands = 0 : i64, tpu.core_type = #tpu.core_type<tc>} {
    %get3A = arith.constant 0 : index
    %get3A_0 = arith.constant 0 : index
    %get3A_1 = vector.load %arg0[%get3A, %get3A_0] : memref<10112x128xf32, #tpu.memory_space<vmem>>, vector<10112x128xf32>
    %get3A_2 = arith.constant 0 : index
    %get3A_3 = arith.constant 0 : index
    %get3A_4 = arith.constant 0 : index
    %get3A_5 = vector.load %arg1[%get3A_2, %get3A_3, %get3A_4] : memref<2x10112x128xf32, #tpu.memory_space<vmem>>, vector<2x10112x128xf32>
    %slice3A = vector.extract_strided_slice %get3A_5 {offsets = [0, 0, 0], sizes = [1, 10112, 1], strides = [1, 1, 1]} : vector<2x10112x128xf32> to vector<1x10112x1xf32>
    %squeeze3A = vector.shape_cast %slice3A : vector<1x10112x1xf32> to vector<10112x1xf32>
    %slice3A_6 = vector.extract_strided_slice %get3A_5 {offsets = [1, 0, 0], sizes = [1, 10112, 1], strides = [1, 1, 1]} : vector<2x10112x128xf32> to vector<1x10112x1xf32>
    %squeeze3A_7 = vector.shape_cast %slice3A_6 : vector<1x10112x1xf32> to vector<10112x1xf32>
    %add3A = arith.addf %squeeze3A, %squeeze3A_7 : vector<10112x1xf32>
    %add3A_8 = arith.constant 1.000000e+00 : f32
    %add3A_9 = vector.broadcast %add3A_8 : f32 to vector<10112x1xf32>
    %add3A_10 = arith.addf %add3A, %add3A_9 : vector<10112x1xf32>
    %rsqrt3A = math.rsqrt %add3A_10 : vector<10112x1xf32>
    %mul3A = vector.broadcast %rsqrt3A : vector<10112x1xf32> to vector<10112x128xf32>
    %mul3A_11 = arith.mulf %get3A_1, %mul3A : vector<10112x128xf32>
    %swap3A = arith.constant 0 : index
    %swap3A_12 = arith.constant 0 : index
    %swap3A_13 = vector.load %arg2[%swap3A, %swap3A_12] : memref<10112x128xf32, #tpu.memory_space<vmem>>, vector<10112x128xf32>
    tpu.vector_store %arg2[%swap3A, %swap3A_12], %mul3A_11 {strides = array<i32>} : memref<10112x128xf32, #tpu.memory_space<vmem>>, vector<10112x128xf32>,
    return
  }
}

module attributes {stable_mosaic.version = 14 : i64} {
  func.func @_lin2_body(%arg0: memref<10112x128xf32, #tpu.memory_space<vmem>>, %arg1: memref<2x10112x128xf32, #tpu.memory_space<vmem>>, %arg2: memref<2x10112x128xf32, #tpu.memory_space<vmem>>, %arg3: memref<128x128xf32, #tpu.memory_space<vmem>>, %arg4: memref<1x128xf32, #tpu.memory_space<vmem>>, %arg5: memref<10112x128xf32, #tpu.memory_space<vmem>>) attributes {dimension_semantics = [], scalar_prefetch = 0 : i64, scratch_operands = 0 : i64, tpu.core_type = #tpu.core_type<tc>} {
    %get3A = arith.constant 0 : index
    %get3A_0 = arith.constant 0 : index
    %get3A_1 = arith.constant 0 : index
    %get3A_2 = vector.load %arg2[%get3A, %get3A_0, %get3A_1] : memref<2x10112x128xf32, #tpu.memory_space<vmem>>, vector<2x10112x128xf32>
    %slice3A = vector.extract_strided_slice %get3A_2 {offsets = [0, 0, 0], sizes = [1, 10112, 1], strides = [1, 1, 1]} : vector<2x10112x128xf32> to vector<1x10112x1xf32>
    %squeeze3A = vector.shape_cast %slice3A : vector<1x10112x1xf32> to vector<10112x1xf32>
    %slice3A_3 = vector.extract_strided_slice %get3A_2 {offsets = [1, 0, 0], sizes = [1, 10112, 1], strides = [1, 1, 1]} : vector<2x10112x128xf32> to vector<1x10112x1xf32>
    %squeeze3A_4 = vector.shape_cast %slice3A_3 : vector<1x10112x1xf32> to vector<10112x1xf32>
    %add3A = arith.addf %squeeze3A, %squeeze3A_4 : vector<10112x1xf32>
    %add3A_5 = arith.constant 1.000000e+00 : f32
    %add3A_6 = vector.broadcast %add3A_5 : f32 to vector<10112x1xf32>
    %add3A_7 = arith.addf %add3A, %add3A_6 : vector<10112x1xf32>
    %rsqrt3A = math.rsqrt %add3A_7 : vector<10112x1xf32>
    %get3A_8 = arith.constant 0 : index
    %get3A_9 = arith.constant 0 : index
    %get3A_10 = arith.constant 0 : index
    %get3A_11 = vector.load %arg1[%get3A_8, %get3A_9, %get3A_10] : memref<2x10112x128xf32, #tpu.memory_space<vmem>>, vector<1x10112x128xf32>
    %get3A_12 = vector.shape_cast %get3A_11 : vector<1x10112x128xf32> to vector<10112x128xf32>
    %get3A_13 = arith.constant 1 : index
    %get3A_14 = arith.constant 0 : index
    %get3A_15 = arith.constant 0 : index
    %get3A_16 = vector.load %arg1[%get3A_13, %get3A_14, %get3A_15] : memref<2x10112x128xf32, #tpu.memory_space<vmem>>, vector<1x10112x128xf32>
    %get3A_17 = vector.shape_cast %get3A_16 : vector<1x10112x128xf32> to vector<10112x128xf32>
    %add3A_18 = arith.addf %get3A_12, %get3A_17 : vector<10112x128xf32>
    %get3A_19 = arith.constant 0 : index
    %get3A_20 = arith.constant 0 : index
    %get3A_21 = vector.load %arg0[%get3A_19, %get3A_20] : memref<10112x128xf32, #tpu.memory_space<vmem>>, vector<10112x128xf32>
    %add3A_22 = arith.addf %add3A_18, %get3A_21 : vector<10112x128xf32>
    %mul3A = vector.broadcast %rsqrt3A : vector<10112x1xf32> to vector<10112x128xf32>
    %mul3A_23 = arith.mulf %mul3A, %add3A_22 : vector<10112x128xf32>
    %get3A_24 = arith.constant 0 : index
    %get3A_25 = arith.constant 0 : index
    %get3A_26 = vector.load %arg4[%get3A_24, %get3A_25] : memref<1x128xf32, #tpu.memory_space<vmem>>, vector<1x128xf32>
    %add3A_27 = vector.broadcast %get3A_26 : vector<1x128xf32> to vector<10112x128xf32>
    %add3A_28 = arith.addf %mul3A_23, %add3A_27 : vector<10112x128xf32>
    %max3A = arith.constant 0.000000e+00 : f32
    %max3A_29 = vector.broadcast %max3A : f32 to vector<10112x128xf32>
    %max3A_30 = arith.maximumf %add3A_28, %max3A_29 : vector<10112x128xf32>
    %get3A_31 = arith.constant 0 : index
    %get3A_32 = arith.constant 0 : index
    %get3A_33 = vector.load %arg3[%get3A_31, %get3A_32] : memref<128x128xf32, #tpu.memory_space<vmem>>, vector<128x128xf32>
    %dot_general3A = arith.constant dense<0.000000e+00> : vector<10112x128xf32>
    %dot_general3A_34 = tpu.matmul %max3A_30, %get3A_33, %dot_general3A {dimension_numbers = #tpu.dot_dimension_numbers<[1], [0], [0], [1], [0, 0, 1, 1], [], []>, transpose_lhs_hint = false} : vector<10112x128xf32>, vector<128x128xf32>, vector<10112x128xf32> -> vector<10112x128xf32>
    %mul3A_35 = vector.broadcast %rsqrt3A : vector<10112x1xf32> to vector<10112x128xf32>
    %mul3A_36 = arith.mulf %dot_general3A_34, %mul3A_35 : vector<10112x128xf32>
    %swap3A = arith.constant 0 : index
    %swap3A_37 = arith.constant 0 : index
    %swap3A_38 = vector.load %arg5[%swap3A, %swap3A_37] : memref<10112x128xf32, #tpu.memory_space<vmem>>, vector<10112x128xf32>
    tpu.vector_store %arg5[%swap3A, %swap3A_37], %mul3A_36 {strides = array<i32>} : memref<10112x128xf32, #tpu.memory_space<vmem>>, vector<10112x128xf32>,
    return
  }
}

module attributes {stable_mosaic.version = 14 : i64} {
  func.func @final_body(%arg0: memref<10112x128xf32, #tpu.memory_space<vmem>>, %arg1: memref<2x10112x128xf32, #tpu.memory_space<vmem>>, %arg2: memref<2x10112x128xf32, #tpu.memory_space<vmem>>, %arg3: memref<1x128xf32, #tpu.memory_space<vmem>>, %arg4: memref<10000x1xi32, #tpu.memory_space<vmem>>, %arg5: memref<128x1xf32, #tpu.memory_space<vmem>>, %arg6: memref<1x1xf32, #tpu.memory_space<vmem>>, %arg7: memref<64x1xf32, #tpu.memory_space<vmem>>) attributes {dimension_semantics = [], scalar_prefetch = 0 : i64, scratch_operands = 0 : i64, tpu.core_type = #tpu.core_type<tc>} {
    %get3A = arith.constant 0 : index
    %get3A_0 = arith.constant 0 : index
    %get3A_1 = arith.constant 0 : index
    %get3A_2 = vector.load %arg2[%get3A, %get3A_0, %get3A_1] : memref<2x10112x128xf32, #tpu.memory_space<vmem>>, vector<2x10112x128xf32>
    %slice3A = vector.extract_strided_slice %get3A_2 {offsets = [0, 0, 0], sizes = [1, 10112, 1], strides = [1, 1, 1]} : vector<2x10112x128xf32> to vector<1x10112x1xf32>
    %squeeze3A = vector.shape_cast %slice3A : vector<1x10112x1xf32> to vector<10112x1xf32>
    %slice3A_3 = vector.extract_strided_slice %get3A_2 {offsets = [1, 0, 0], sizes = [1, 10112, 1], strides = [1, 1, 1]} : vector<2x10112x128xf32> to vector<1x10112x1xf32>
    %squeeze3A_4 = vector.shape_cast %slice3A_3 : vector<1x10112x1xf32> to vector<10112x1xf32>
    %add3A = arith.addf %squeeze3A, %squeeze3A_4 : vector<10112x1xf32>
    %add3A_5 = arith.constant 1.000000e+00 : f32
    %add3A_6 = vector.broadcast %add3A_5 : f32 to vector<10112x1xf32>
    %add3A_7 = arith.addf %add3A, %add3A_6 : vector<10112x1xf32>
    %rsqrt3A = math.rsqrt %add3A_7 : vector<10112x1xf32>
    %get3A_8 = arith.constant 0 : index
    %get3A_9 = arith.constant 0 : index
    %get3A_10 = arith.constant 0 : index
    %get3A_11 = vector.load %arg1[%get3A_8, %get3A_9, %get3A_10] : memref<2x10112x128xf32, #tpu.memory_space<vmem>>, vector<1x10112x128xf32>
    %get3A_12 = vector.shape_cast %get3A_11 : vector<1x10112x128xf32> to vector<10112x128xf32>
    %get3A_13 = arith.constant 1 : index
    %get3A_14 = arith.constant 0 : index
    %get3A_15 = arith.constant 0 : index
    %get3A_16 = vector.load %arg1[%get3A_13, %get3A_14, %get3A_15] : memref<2x10112x128xf32, #tpu.memory_space<vmem>>, vector<1x10112x128xf32>
    %get3A_17 = vector.shape_cast %get3A_16 : vector<1x10112x128xf32> to vector<10112x128xf32>
    %add3A_18 = arith.addf %get3A_12, %get3A_17 : vector<10112x128xf32>
    %get3A_19 = arith.constant 0 : index
    %get3A_20 = arith.constant 0 : index
    %get3A_21 = vector.load %arg0[%get3A_19, %get3A_20] : memref<10112x128xf32, #tpu.memory_space<vmem>>, vector<10112x128xf32>
    %add3A_22 = arith.addf %add3A_18, %get3A_21 : vector<10112x128xf32>
    %mul3A = vector.broadcast %rsqrt3A : vector<10112x1xf32> to vector<10112x128xf32>
    %mul3A_23 = arith.mulf %mul3A, %add3A_22 : vector<10112x128xf32>
    %get3A_24 = arith.constant 0 : index
    %get3A_25 = arith.constant 0 : index
    %get3A_26 = vector.load %arg3[%get3A_24, %get3A_25] : memref<1x128xf32, #tpu.memory_space<vmem>>, vector<1x128xf32>
    %add3A_27 = vector.broadcast %get3A_26 : vector<1x128xf32> to vector<10112x128xf32>
    %add3A_28 = arith.addf %mul3A_23, %add3A_27 : vector<10112x128xf32>
    %max3A = arith.constant 0.000000e+00 : f32
    %max3A_29 = vector.broadcast %max3A : f32 to vector<10112x128xf32>
    %max3A_30 = arith.maximumf %add3A_28, %max3A_29 : vector<10112x128xf32>
    %slice3A_31 = vector.extract_strided_slice %max3A_30 {offsets = [0, 0], sizes = [10000, 128], strides = [1, 1]} : vector<10112x128xf32> to vector<10000x128xf32>
    %iota3A = tpu.iota {dimensions = array<i32: 1>} : vector<1x64xi32>
    %get3A_32 = arith.constant 0 : index
    %get3A_33 = arith.constant 0 : index
    %get3A_34 = vector.load %arg4[%get3A_32, %get3A_33] : memref<10000x1xi32, #tpu.memory_space<vmem>>, vector<10000x1xi32>
    %eq3A = vector.broadcast %get3A_34 : vector<10000x1xi32> to vector<10000x64xi32>
    %eq3A_35 = vector.broadcast %iota3A : vector<1x64xi32> to vector<10000x64xi32>
    %eq3A_36 = arith.cmpi eq, %eq3A, %eq3A_35 : vector<10000x64xi32>
    %convert_element_type3A = arith.extui %eq3A_36 : vector<10000x64xi1> to vector<10000x64xi32>
    %convert_element_type3A_37 = arith.sitofp %convert_element_type3A : vector<10000x64xi32> to vector<10000x64xf32>
    %dot_general3A = arith.constant dense<0.000000e+00> : vector<64x128xf32>
    %dot_general3A_38 = tpu.matmul %convert_element_type3A_37, %slice3A_31, %dot_general3A {dimension_numbers = #tpu.dot_dimension_numbers<[0], [0], [1], [1], [0, 1, 1, 1], [], []>, transpose_lhs_hint = false} : vector<10000x64xf32>, vector<10000x128xf32>, vector<64x128xf32> -> vector<64x128xf32>
    %broadcast_in_dim3A = arith.constant 1.000000e+00 : f32
    %broadcast_in_dim3A_39 = vector.broadcast %broadcast_in_dim3A : f32 to vector<10000x1xf32>
    %dot_general3A_40 = arith.constant dense<0.000000e+00> : vector<64x1xf32>
    %dot_general3A_41 = tpu.matmul %convert_element_type3A_37, %broadcast_in_dim3A_39, %dot_general3A_40 {dimension_numbers = #tpu.dot_dimension_numbers<[0], [0], [1], [1], [0, 1, 1, 1], [], []>, transpose_lhs_hint = false} : vector<10000x64xf32>, vector<10000x1xf32>, vector<64x1xf32> -> vector<64x1xf32>
    %max3A_42 = arith.constant 1.000000e+00 : f32
    %max3A_43 = vector.broadcast %max3A_42 : f32 to vector<64x1xf32>
    %max3A_44 = arith.maximumf %dot_general3A_41, %max3A_43 : vector<64x1xf32>
    %div3A = vector.broadcast %max3A_44 : vector<64x1xf32> to vector<64x128xf32>
    %div3A_45 = arith.divf %dot_general3A_38, %div3A : vector<64x128xf32>
    %get3A_46 = arith.constant 0 : index
    %get3A_47 = arith.constant 0 : index
    %get3A_48 = vector.load %arg5[%get3A_46, %get3A_47] : memref<128x1xf32, #tpu.memory_space<vmem>>, vector<128x1xf32>
    %dot_general3A_49 = arith.constant dense<0.000000e+00> : vector<64x1xf32>
    %dot_general3A_50 = tpu.matmul %div3A_45, %get3A_48, %dot_general3A_49 {dimension_numbers = #tpu.dot_dimension_numbers<[1], [0], [0], [1], [0, 0, 1, 1], [], []>, transpose_lhs_hint = false} : vector<64x128xf32>, vector<128x1xf32>, vector<64x1xf32> -> vector<64x1xf32>
    %get3A_51 = arith.constant 0 : index
    %get3A_52 = arith.constant 0 : index
    %get3A_53 = vector.load %arg6[%get3A_51, %get3A_52] : memref<1x1xf32, #tpu.memory_space<vmem>>, vector<1x1xf32>
    %add3A_54 = vector.broadcast %get3A_53 : vector<1x1xf32> to vector<64x1xf32>
    %add3A_55 = arith.addf %dot_general3A_50, %add3A_54 : vector<64x1xf32>
    %swap3A = arith.constant 0 : index
    %swap3A_56 = arith.constant 0 : index
    %swap3A_57 = vector.load %arg7[%swap3A, %swap3A_56] : memref<64x1xf32, #tpu.memory_space<vmem>>, vector<64x1xf32>
    tpu.vector_store %arg7[%swap3A, %swap3A_56], %add3A_55 {strides = array<i32>} : memref<64x1xf32, #tpu.memory_space<vmem>>, vector<64x1xf32>,
    return
  }
}

</mosaic_0001>

<sc_bundles>
// kernel: kernel.12.cloned.1.call-start
scs
__scs_entry_jumppad:
0x0: {  	(pc) =	sbr.rel $0x88, $3  }
0x1: {  	(tag) =	ssettag $0x0;
	lr =	simm.s32 $0x1  }
0x2: {  	[smem:$0x3F98] =	sst lr;
	_ =	strace $0xD0000000  }
0x3: {  	_ = 	snop  }
0x4: {  	_ = 	snop  }
0x5: {  	_ = 	snop  }
0x6: {  	_ = 	snop  }
0x7: {  	_ = 	snop  }
__scs_overlays_trampoline_lowered:
0x8: {  	[smem:$0x3FA7] =	sst s0  }
0x9: {  	[smem:$0x3FA8] =	sst s1  }
0xa: {  	[smem:$0x3FA9] =	sst s2  }
0xb: {  	[smem:$0x3FAA] =	sst s3  }
0xc: {  	[smem:$0x3FAB] =	sst s4  }
0xd: {  	[smem:$0x3FAC] =	sst s5  }
0xe: {  	[smem:$0x3FAD] =	sst s6  }
0xf: {  	[smem:$0x3FAE] =	sst s7  }
0x10: {  	[smem:$0x3FAF] =	sst s8  }
0x11: {  	[smem:$0x3FB0] =	sst s9;
	s0 =	simm.s32 @!p0 $0x0  }
0x12: {  	s1 =	sld [smem:$0x3F96];
	s0 =	simm.s32 @p0 $0x1  }
0x13: {  	[smem:$0x3FB1] =	sst s0;
	s0 =	simm.s32 @!p1 $0x0  }
0x14: {  	s2 =	sld [smem:$0x3F95];
	s0 =	simm.s32 @p1 $0x1  }
0x15: {  	[smem:$0x3FB2] =	sst s0;
	s0 =	simm.s32 @!p2 $0x0  }
0x16: {  	s3 =	sld [smem:$0x3FDB];
	s0 =	simm.s32 @p2 $0x1  }
0x17: {  	s4 =	simm.s32 $0x1BF5;
	[smem:$0x3FB4] =	sst s0  }
0x18: {  	s0 =	sld [smem:$0x3F97];
	_ =	swait.ge [sflag:s4], $0x0  }
0x19: {  	s7 =	sld [smem:$0x3F98]  }
0x1a: {  	s8 =	sadd.s32 $0xFFFFE003, lr  }
0x1b: {  	s9 =	sadd.s32 $0xFFFFFEF7, lr;
	s5 =	simm.s32 $0xFFFFFFFF;
	p2 =	slt.u32 s8, $0xFFFFF086  }
0x1c: {  	p1 =	slt.u32 s9, $0xF7A;
	s5 =	simm.s32 @!p2 $0x0  }
0x1d: {  	s5 =	simm.s32 @p1 $0x1;
	p0 =	seq.s32 s7, s2  }
0x1e: {  	s7 =	smul.u32 @!p0 $0xF7A, s2;
	p2 =	seq.s32 @!p0 s5, $0x0  }
0x1f: {  	s9 =	smul.u32 $0xF7A, s1;
	s8 =	simm.s32 @!p0 $0x1BF5;
	p2 =	por !p2, p0  }
0x20: {  	[sflag:s8] =	ssyncset.s32 @!p0 $0xFFFFF086;
	s6 =	sadd.s32 @!p0 s3, s7;
	s7 =	simm.s32 @!p0 $0x108  }
0x21: {  	s3 =	sadd.s32 s3, s9;
	s6 =	sadd.s32 @!p0 $0x88, s6;
	s7 =	simm.s32 @p2 $0x1082  }
0x22: {  	[simem:s7], [sflag:s8] =	dma.local @!p0 [hbm:s6], $0xF7A  }
0x23: {  	s9 =	sor.u32 $0xD0000000, s2;
	s6 =	simm.s32 $0x108;
	_ =	swait.ge @!p0 [sflag:s8], $0x0  }
0x24: {  	s3 =	sadd.s32 $0x88, s3;
	s6 =	simm.s32 @!p1 $0x1082;
	[sflag:s4] =	ssyncset.s32 $0xFFFFF086  }
0x25: {  	[simem:s6], [sflag:s4] =	dma.local [hbm:s3], $0xF7A  }
0x26: {  	[smem:$0x3F98] =	sst s1;
	(tag) =	ssettag s2;
	_ =	strace s9  }
0x27: {  	s1 =	sld [smem:$0x3FA8]  }
0x28: {  	s2 =	sld [smem:$0x3FA9]  }
0x29: {  	s4 =	sld [smem:$0x3FAB]  }
0x2a: {  	p0 =	seq.s32 s5, $0x0;
	s5 =	sld [smem:$0x3FAC]  }
0x2b: {  	s6 =	sld [smem:$0x3FAD]  }
0x2c: {  	s7 =	sld [smem:$0x3FAE]  }
0x2d: {  	s3 =	simm.s32 $0x108;
	s8 =	sld [smem:$0x3FAF]  }
0x2e: {  	s3 =	simm.s32 @!p0 $0x1082;
	s9 =	sld [smem:$0x3FB0]  }
0x2f: {  	lr =	sadd.s32 s0, s3;
	s0 =	sld [smem:$0x3FA7]  }
0x30: {  	s3 =	sld [smem:$0x3FAA]  }
0x31: {  	[smem:$0x3FB3] =	sst s10  }
0x32: {  	s10 =	sld [smem:$0x3FB1];
	_ =	sdelay $0x3  }
0x33: {  	p0 =	seq.s32 s10, $0x1;
	s10 =	sld [smem:$0x3FB3];
	_ =	sdelay $0x3  }
0x34: {  	[smem:$0x3FB3] =	sst s10  }
0x35: {  	s10 =	sld [smem:$0x3FB2];
	_ =	sdelay $0x3  }
0x36: {  	p1 =	seq.s32 s10, $0x1;
	s10 =	sld [smem:$0x3FB3];
	_ =	sdelay $0x3  }
0x37: {  	[smem:$0x3FB3] =	sst s10  }
0x38: {  	s10 =	sld [smem:$0x3FB4]  }
0x39: {  	_ = 	snop;
	(pc) =	sbr.ind lr, $3  }
0x3a: {  	_ = 	snop  }
0x3b: {  	_ = 	snop  }
0x3c: {  	p2 =	seq.s32 s10, $0x1;
	s10 =	sld [smem:$0x3FB3]  }
0x3d: {  	_ =	shalt  }
0x3e: {  	_ =	shalt  }
0x3f: {  	_ =	shalt  }
0x40: {  	_ =	shalt  }
0x41: {  	_ =	shalt  }
0x42: {  	_ =	shalt  }
0x43: {  	_ =	shalt  }
0x44: {  	_ =	shalt  }
0x45: {  	_ =	shalt  }
0x46: {  	_ =	shalt  }
0x47: {  	_ =	shalt  }
0x48: {  	_ =	shalt  }
0x49: {  	_ =	shalt  }
0x4a: {  	_ =	shalt  }
0x4b: {  	_ =	shalt  }
0x4c: {  	_ =	shalt  }
0x4d: {  	_ =	shalt  }
0x4e: {  	_ =	shalt  }
0x4f: {  	_ =	shalt  }
0x50: {  	_ =	shalt  }
0x51: {  	_ =	shalt  }
0x52: {  	_ =	shalt  }
0x53: {  	_ =	shalt  }
0x54: {  	_ =	shalt  }
0x55: {  	_ =	shalt  }
0x56: {  	_ =	shalt  }
0x57: {  	_ =	shalt  }
0x58: {  	_ =	shalt  }
0x59: {  	_ =	shalt  }
0x5a: {  	_ =	shalt  }
0x5b: {  	_ =	shalt  }
0x5c: {  	_ =	shalt  }
0x5d: {  	_ =	shalt  }
0x5e: {  	_ =	shalt  }
0x5f: {  	_ =	shalt  }
0x60: {  	_ =	shalt  }
0x61: {  	_ =	shalt  }
0x62: {  	_ =	shalt  }
0x63: {  	_ =	shalt  }
0x64: {  	_ =	shalt  }
0x65: {  	_ =	shalt  }
0x66: {  	_ =	shalt  }
0x67: {  	_ =	shalt  }
0x68: {  	_ =	shalt  }
0x69: {  	_ =	shalt  }
0x6a: {  	_ =	shalt  }
0x6b: {  	_ =	shalt  }
0x6c: {  	_ =	shalt  }
0x6d: {  	_ =	shalt  }
0x6e: {  	_ =	shalt  }
0x6f: {  	_ =	shalt  }
0x70: {  	_ =	shalt  }
0x71: {  	_ =	shalt  }
0x72: {  	_ =	shalt  }
0x73: {  	_ =	shalt  }
0x74: {  	_ =	shalt  }
0x75: {  	_ =	shalt  }
0x76: {  	_ =	shalt  }
0x77: {  	_ =	shalt  }
0x78: {  	_ =	shalt  }
0x79: {  	_ =	shalt  }
0x7a: {  	_ =	shalt  }
0x7b: {  	_ =	shalt  }
0x7c: {  	_ =	shalt  }
0x7d: {  	_ =	shalt  }
0x7e: {  	_ =	shalt  }
0x7f: {  	_ =	shalt  }
0x80: {  	_ =	shalt  }
0x81: {  	_ =	shalt  }
0x82: {  	_ =	shalt  }
0x83: {  	_ =	shalt  }
0x84: {  	_ =	shalt  }
0x85: {  	_ =	shalt  }
0x86: {  	_ =	shalt  }
0x87: {  	_ =	shalt  }
.Lfunc_end0:
.L_simem_size_0:
called_computation.1_lowered:
.L_overlay_start_0:
0x88: {  	s2 =	sld [smem:$0x3FD9]  }
0x89: {  	s3 =	sld [smem:$0x3FFE];
	_ =	sdelay $0x1  }
0x8a: {  	s1 =	srdreg.scid  }
0x8b: {  	s0 =	sand.u32 $0x1, s1  }
0x8c: {  	s16 =	sshll.u32 s0, $0xA;
	s2 =	sadd.s32 s3, s2  }
0x8d: {  	s2 =	sadd.s32 s2, s16  }
0x8e: {  	[smem:$0x3FBF] =	sst s2  }
0x8f: {  	_ = 	snop  }
0x90: {  	(tm) =	ssettm $0x1  }
0x91: {  	s17 =	sld [smem:$0x3FFB];
	_ =	sdelay $0x3  }
0x92: {  	_ =	strace s17  }
0x93: {  	s2 =	sld [smem:$0x3FFC];
	_ =	sdelay $0x3  }
0x94: {  	_ =	strace s2  }
0x95: {  	s2 =	sld [smem:$0x3FFD];
	_ =	sdelay $0x3  }
0x96: {  	_ =	strace s2  }
0x97: {  	_ =	strace $0x8FFFFFFF  }
0x98: {  	s18 =	sld [smem:$0x3FDB];
	_ =	sdelay $0x1  }
0x99: {  	s19 =	simm.s32 $_scs_section_size  }
0x9a: {  	s4 =	simm.s32 $_size__tile_overlayer_lowered;
	s5 =	simm.s32 $_tile_overlayer_lowered  }
0x9b: {  	s22 =	simm.s32 $0x1BFF;
	s21 =	sshll.u32 s5, $0x1;
	s2 =	sadd.s32 s19, s18  }
0x9c: {  	s6 =	simm.s32 $0x0;
	s20 =	sshll.u32 s4, $0x1;
	s4 =	sadd.s32 s21, s2  }
0x9d: {  	[timem:s6], [sflag:s22] =	dma.local [hbm:s4], s20  }
0x9e: {  	_ =	swait.ge [sflag:s22], s20  }
0x9f: {  	s3 =	ssub.s32 $0x0, s20;
	[sflag:s22] =	ssyncset.done $0x0  }
0xa0: {  	[sflag:s22] =	ssyncadd.s32 s3;
	_ =	sdelay $0x1  }
0xa1: {  	s23 =	simm.s32 $0x1B8B  }
0xa2: {  	_ =	swait.ge [sflag:s23], $0x1  }
0xa3: {  	[sflag:s23] =	ssyncset.done $0x0  }
0xa4: {  	s25 =	simm.s32 $0x1B8E;
	s24 =	sld [smem:$0x3FFE];
	[sflag:s23] =	ssyncadd.s32 $0xFFFFFFFF  }
0xa5: {  	s26 =	simm.s32 $execute0_lowered;
	[smem:$0x3FD2] =	sst s25  }
0xa6: {  	s4 =	sshll.u32 s26, $0x1;
	_ =	strace $0x80000049;
	[dreg:$0x1] =	wrdreg $0xFFFFFFFF  }
0xa7: {  	s28 =	simm.s32 $_size_execute0_lowered;
	s2 =	sadd.s32 s2, s4;
	[dreg:$0x0] =	wrdreg $0x0  }
0xa8: {  	s4 =	sshll.u32 s28, $0x1;
	[dreg:$0x2] =	wrdreg s2  }
0xa9: {  	[dreg:$0x3] =	wrdreg s4  }
0xaa: {  	[dreg:$0x4] =	wrdreg $0xC0  }
0xab: {  	_ =	task [dreg:s6], $0x5FFFF  }
0xac: {  	[dreg:$0x1] =	wrdreg $0xFFFFFFFF  }
0xad: {  	[dreg:$0x0] =	wrdreg $0x60  }
0xae: {  	[dreg:$0x2] =	wrdreg s24  }
0xaf: {  	[dreg:$0x3] =	wrdreg $0x82000  }
0xb0: {  	[dreg:$0x4] =	wrdreg $0x9  }
0xb1: {  	_ =	task.clear_ibuf [dreg:s6], $0x5FFFF;
	_ =	strace $0x90000049  }
0xb2: {  	s29 =	simm.s32 $0x9;
	_ =	strace $0x8000004B  }
0xb3: {  	_ =	swait.ge [sflag:s29], $0x1  }
0xb4: {  	[sflag:s29] =	ssyncadd.s32 $0xFFFFFFFF  }
0xb5: {  	_ =	strace $0x9000004B  }
0xb6: {  	_ =	sfence  }
0xb7: {  	s30 =	sld [smem:$0x0];
	_ =	sdelay $0x2  }
0xb8: {  	s31 =	sshll.u32 s1, $0xD;
	s1 =	sshrl.u32 s1, $0x2  }
0xb9: {  	s3 =	sand.u32 $0x4000, s31;
	s1 =	sadd.s32 s1, s30  }
0xba: {  	s0 =	sor.u32 s3, s0;
	s1 =	sshll.u32 s1, $0x11  }
0xbb: {  	s0 =	sor.u32 s1, s0  }
0xbc: {  	s0 =	sadd.s32 $0x8F2B, s0  }
0xbd: {  	[sflag:s0] =	ssyncadd.remote.s32 $0x1  }
0xbe: {  	_ =	sfence.sel $0xFFFF  }
0xbf: {  	[dreg:$0x0] =	wrdreg $0xFFFFFFFF;
	(pc) =	sbr.abs _section_cstart, $3  }
0xc0: {  	[dreg:$0x1] =	wrdreg $0xFFFFFFFF  }
0xc1: {  	_ =	task.clear_ibuf [dreg:s6], $0x2FFFF;
	_ =	strace $0x9FFFFFFF  }
0xc2: {  	(tm) =	ssettm $0x7FFFFFFF  }
0xc3: {  	_ =	shalt  }
tec
execute0_lowered:
.L_overlay_start_1:
0x0: {  	(tag) =	ssettag $0x1  }
0x1: {  	s8 =	rddreg [dreg:$0x0]  }
0x2: {  	s1 =	rddreg [dreg:$0x1]  }
0x3: {  	s2 =	srdreg.scid;
	s0 =	rddreg [dreg:$0x2];
	s3 =	simm.s32 $0x0  }
0x4: {  	s15 =	simm.s32 $0x3;
	s16 =	simm.s32 $0x80;
	s17 =	simm.s32 $0x200  }
0x5: {  	s18 =	simm.s32 $0x100;
	s19 =	simm.s32 $0x180;
	s20 =	simm.s32 $0x4200  }
0x6: {  	s21 =	simm.s32 $0x1;
	s22 =	simm.s32 $0x2;
	s9 =	sand.u32 $0x1, s2  }
0x7: {  	s23 =	simm.s32 $0x0;
	s2 =	stileid.u32;
	s6 =	smul.u32 $0x13C000, s9  }
0x8: {  	[smem:$0x7FF] =	sst s3;
	s4 =	sadd.s32 $0x5E000, s8;
	s7 =	smul.u32 $0x13C00, s2  }
0x9: {  	s5 =	sadd.s32 $0x2000, s8;
	_ =	strace $0x8000004A;
	s11 =	smul.u32 $0x4F000, s2  }
0xa: {  	s30 =	ssub.s32 $0x2, s9;
	s13 =	smul.u32 $0x1400, s2;
	s31 =	sshll.u32 s2, $0x6  }
0xb: {  	p0 =	seq.s32 s9, $0x0;
	s9 =	simm.s32 $0x3B;
	s12 =	sshrl.u32 s30, $0x1  }
0xc: {  	s9 =	simm.s32 @!p0 $0x14;
	s7 =	sadd.s32 s7, s6;
	s11 =	sshrl.u32 s11, $0x2  }
0xd: {  	s6 =	sadd.s32 $0x68000, s8;
	s14 =	sadd.s32 s11, s1;
	s11 =	smul.u32 $0x3B00, s2  }
0xe: {  	s12 =	ssub.s32 s30, s12;
	s13 =	sadd.s32 $0x3B000, s13;
	s10 =	sshrl.u32 s7, $0x3  }
0xf: {  	s7 =	sadd.s32 $0xC000, s8;
	s12 =	smax.u32 s12, $0x1;
	s13 =	smov.u32 @p0 s11  }
0x10: {  	s10 =	sadd.s32 s10, s8;
	s8 =	sor.u32 $0x1C03, s31;
	s11 =	sshrl.u32 s13, $0x3  }
0x11: {  	s14 =	sshrl.u32 s14, $0x3;
	s10 =	sadd.s32 $0x8F800, s10;
	s13 =	sor.u32 $0x10, s11  }
.LBB2_1:
0x12: {  	[spmem:s14], [sflag:s8] =	dma.local [hbm:s7], $0x2780  }
0x13: {  	p1 =	sne.s32 s9, $0x1  }
.Ltmp0:
0x14: {  	_ =	swait.ge [sflag:s15], $0x2780;
	(pc) =	sbr.rel @!p1 .LBB2_5-.Ltmp0, $4  }
0x15: {  	[sflag:s15] =	ssyncset.done $0x0  }
0x16: {  	[sflag:s15] =	ssyncadd.s32 $0xFFFFD880  }
0x17: {  	s26 =	sadd.s32 $0xFFFFFFFF, s9;
	[bflag:$0x0] =	sbarrier.arrive $0xFFFF  }
0x18: {  	p0 =	por $0x0, $0x0;
	s24 =	smov.u32 s4;
	s25 =	smov.u32 s5  }
0x19: {  	s24 =	sadd.s32 s4, s11  }
0x1a: {  	[tilespmem:s3], [sflag:$0x3] =	stream.linear.gather [hbm4b:s24+s3], $0x80, $0x38;
	[tilespmem:$0x1BE00] =	vst v63  }
0x1b: {  	_ =	swait.ge [sflag:s15], $0x80  }
0x1c: {  	[sflag:s15] =	ssyncset.done $0x0  }
0x1d: {  	s29 =	sadd.s32 s5, s11;
	[sflag:s15] =	ssyncadd.s32 $0xFFFFFF80  }
0x1e: {  	[tilespmem:s16], [sflag:$0x3] =	stream.linear.gather [hbm4b:s29+s3], $0x80, $0x38;
	[tilespmem:$0x1BE00] =	vst v63  }
0x1f: {  	_ =	swait.ge [sflag:s15], $0x80  }
0x20: {  	[sflag:s15] =	ssyncset.done $0x0  }
0x21: {  	[sflag:s15] =	ssyncadd.s32 $0xFFFFFF80  }
0x22: {  	[tilespmem:s17], [sflag:$0x1] =	stream.indirect.gather [hbm4b:s6+s16], $0x80, s3, s16, $0xb8;
	[tilespmem:$0x1BE00] =	vst v63  }
0x23: {  	s30 =	sadd.s32 s4, s13  }
0x24: {  	[tilespmem:s18], [sflag:$0x3] =	stream.linear.gather [hbm4b:s30+s3], $0x80, $0x38;
	[tilespmem:$0x1BE00] =	vst v63  }
0x25: {  	_ =	swait.ge [sflag:s15], $0x80  }
0x26: {  	[sflag:s15] =	ssyncset.done $0x0  }
0x27: {  	s31 =	sadd.s32 s5, s13;
	[sflag:s15] =	ssyncadd.s32 $0xFFFFFF80  }
0x28: {  	[tilespmem:s19], [sflag:$0x3] =	stream.linear.gather [hbm4b:s31+s3], $0x80, $0x38;
	[tilespmem:$0x1BE00] =	vst v63  }
0x29: {  	_ =	swait.ge [sflag:s15], $0x80  }
0x2a: {  	[sflag:s15] =	ssyncset.done $0x0  }
0x2b: {  	[sflag:s15] =	ssyncadd.s32 $0xFFFFFF80  }
0x2c: {  	[tilespmem:s20], [sflag:$0x2] =	stream.indirect.gather [hbm4b:s6+s16], $0x80, s18, s16, $0xb8;
	[tilespmem:$0x1BE00] =	vst v63  }
0x2d: {  	_ =	swait.ge [sflag:s21], $0x4000  }
0x2e: {  	[sflag:s21] =	ssyncset.done $0x0  }
0x2f: {  	[sflag:s21] =	ssyncadd.s32 $0xFFFFC000  }
0x30: {  	[spmem:s1] =	stream.indirect.scatter.add.f32 [tilespmem:s17], [sflag:$0x3], $0x80, s16, s16, $0xb8;
	[tilespmem:$0x1BE00] =	vst v63  }
0x31: {  	_ =	swait.ge [sflag:s15], $0x4000  }
0x32: {  	[sflag:s15] =	ssyncset.done $0x0  }
0x33: {  	[sflag:s15] =	ssyncadd.s32 $0xFFFFC000  }
0x34: {  	p1 =	sne.s32 s26, $0x1;
	_ =	swait.ge [sflag:s22], $0x4000  }
.Ltmp1:
0x35: {  	[sflag:s22] =	ssyncset.done $0x0;
	(pc) =	sbr.rel @!p1 .LBB2_3-.Ltmp1, $4  }
0x36: {  	[sflag:s22] =	ssyncadd.s32 $0xFFFFC000  }
0x37: {  	[spmem:s1] =	stream.indirect.scatter.add.f32 [tilespmem:s20], [sflag:$0x3], $0x80, s19, s16, $0xb8;
	[tilespmem:$0x1BE00] =	vst v63  }
0x38: {  	s26 =	sadd.s32 $0xFFFFFFFF, s26;
	p0 =	por $0x1, $0x1;
	_ =	swait.ge [sflag:s15], $0x4000  }
0x39: {  	s25 =	smov.u32 s5;
	s24 =	sadd.s32 $0x20, s4;
	[sflag:s15] =	ssyncset.done $0x0  }
.LBB2_4:
0x3a: {  	s28 =	sadd.s32 s24, s11;
	[sflag:s15] =	ssyncadd.s32 $0xFFFFC000;
	s25 =	sadd.s32 $0x20, s25  }
0x3b: {  	[tilespmem:s3], [sflag:$0x3] =	stream.linear.gather [hbm4b:s28+s3], $0x80, $0x38;
	[tilespmem:$0x1BE00] =	vst v63  }
0x3c: {  	p1 =	sne.s32 s26, $0x1;
	s26 =	sadd.s32 $0xFFFFFFFF, s26;
	_ =	swait.ge [sflag:s15], $0x80  }
0x3d: {  	[sflag:s15] =	ssyncset.done $0x0  }
0x3e: {  	s28 =	sadd.s32 s25, s11;
	[sflag:s15] =	ssyncadd.s32 $0xFFFFFF80  }
0x3f: {  	[tilespmem:s16], [sflag:$0x3] =	stream.linear.gather [hbm4b:s28+s3], $0x80, $0x38;
	[tilespmem:$0x1BE00] =	vst v63  }
0x40: {  	_ =	swait.ge [sflag:s15], $0x80  }
0x41: {  	[sflag:s15] =	ssyncset.done $0x0  }
0x42: {  	[sflag:s15] =	ssyncadd.s32 $0xFFFFFF80  }
0x43: {  	[tilespmem:s17], [sflag:$0x1] =	stream.indirect.gather [hbm4b:s6+s16], $0x80, s3, s16, $0xb8;
	[tilespmem:$0x1BE00] =	vst v63  }
0x44: {  	s28 =	sadd.s32 s24, s13  }
0x45: {  	[tilespmem:s18], [sflag:$0x3] =	stream.linear.gather [hbm4b:s28+s3], $0x80, $0x38;
	[tilespmem:$0x1BE00] =	vst v63  }
0x46: {  	_ =	swait.ge [sflag:s15], $0x80  }
0x47: {  	[sflag:s15] =	ssyncset.done $0x0  }
0x48: {  	s28 =	sadd.s32 s25, s13;
	[sflag:s15] =	ssyncadd.s32 $0xFFFFFF80  }
0x49: {  	[tilespmem:s19], [sflag:$0x3] =	stream.linear.gather [hbm4b:s28+s3], $0x80, $0x38;
	[tilespmem:$0x1BE00] =	vst v63  }
0x4a: {  	_ =	swait.ge [sflag:s15], $0x80  }
0x4b: {  	[sflag:s15] =	ssyncset.done $0x0  }
0x4c: {  	[sflag:s15] =	ssyncadd.s32 $0xFFFFFF80  }
0x4d: {  	[tilespmem:s20], [sflag:$0x2] =	stream.indirect.gather [hbm4b:s6+s16], $0x80, s18, s16, $0xb8;
	[tilespmem:$0x1BE00] =	vst v63  }
0x4e: {  	_ =	swait.ge [sflag:s21], $0x4000  }
0x4f: {  	[sflag:s21] =	ssyncset.done $0x0  }
0x50: {  	[sflag:s21] =	ssyncadd.s32 $0xFFFFC000  }
0x51: {  	[spmem:s1] =	stream.indirect.scatter.add.f32 [tilespmem:s17], [sflag:$0x3], $0x80, s16, s16, $0xb8;
	[tilespmem:$0x1BE00] =	vst v63  }
0x52: {  	_ =	swait.ge [sflag:s15], $0x4000  }
0x53: {  	[sflag:s15] =	ssyncset.done $0x0  }
0x54: {  	[sflag:s15] =	ssyncadd.s32 $0xFFFFC000  }
0x55: {  	_ =	swait.ge [sflag:s22], $0x4000  }
.Ltmp2:
0x56: {  	[sflag:s22] =	ssyncset.done $0x0;
	(pc) =	sbr.rel @p1 .LBB2_4-.Ltmp2, $4  }
0x57: {  	[sflag:s22] =	ssyncadd.s32 $0xFFFFC000  }
0x58: {  	[spmem:s1] =	stream.indirect.scatter.add.f32 [tilespmem:s20], [sflag:$0x3], $0x80, s19, s16, $0xb8;
	[tilespmem:$0x1BE00] =	vst v63  }
0x59: {  	_ =	swait.ge [sflag:s15], $0x4000  }
0x5a: {  	s24 =	sadd.s32 $0x20, s24;
	[sflag:s15] =	ssyncset.done $0x0  }
.LBB2_5:
0x5b: {  	s26 =	sadd.s32 s24, s11;
	[sflag:s15] =	ssyncadd.s32 @p0 $0xFFFFC000  }
0x5c: {  	[tilespmem:s3], [sflag:$0x3] =	stream.linear.gather [hbm4b:s26+s3], $0x80, $0x38;
	[tilespmem:$0x1BE00] =	vst v63  }
0x5d: {  	s25 =	sadd.s32 @p0 $0x20, s25;
	s26 =	smov.u32 s5;
	_ =	swait.ge [sflag:s15], $0x80  }
0x5e: {  	s26 =	smov.u32 @p0 s25;
	[sflag:s15] =	ssyncset.done $0x0  }
0x5f: {  	s25 =	sadd.s32 s26, s11;
	[sflag:s15] =	ssyncadd.s32 $0xFFFFFF80  }
0x60: {  	[tilespmem:s16], [sflag:$0x3] =	stream.linear.gather [hbm4b:s25+s3], $0x80, $0x38;
	[tilespmem:$0x1BE00] =	vst v63  }
0x61: {  	_ =	swait.ge [sflag:s15], $0x80  }
0x62: {  	[sflag:s15] =	ssyncset.done $0x0  }
0x63: {  	[sflag:s15] =	ssyncadd.s32 $0xFFFFFF80  }
0x64: {  	[tilespmem:s17], [sflag:$0x1] =	stream.indirect.gather [hbm4b:s6+s16], $0x80, s3, s16, $0xb8;
	[tilespmem:$0x1BE00] =	vst v63  }
0x65: {  	s30 =	sadd.s32 s24, s13  }
0x66: {  	[tilespmem:s18], [sflag:$0x3] =	stream.linear.gather [hbm4b:s30+s3], $0x80, $0x38;
	[tilespmem:$0x1BE00] =	vst v63  }
0x67: {  	_ =	swait.ge [sflag:s15], $0x80  }
0x68: {  	[sflag:s15] =	ssyncset.done $0x0  }
0x69: {  	s31 =	sadd.s32 s26, s13;
	[sflag:s15] =	ssyncadd.s32 $0xFFFFFF80  }
0x6a: {  	[tilespmem:s19], [sflag:$0x3] =	stream.linear.gather [hbm4b:s31+s3], $0x80, $0x38;
	[tilespmem:$0x1BE00] =	vst v63  }
0x6b: {  	_ =	swait.ge [sflag:s15], $0x80  }
0x6c: {  	[sflag:s15] =	ssyncset.done $0x0  }
0x6d: {  	[sflag:s15] =	ssyncadd.s32 $0xFFFFFF80  }
0x6e: {  	[tilespmem:s20], [sflag:$0x2] =	stream.indirect.gather [hbm4b:s6+s16], $0x80, s18, s16, $0xb8;
	[tilespmem:$0x1BE00] =	vst v63  }
0x6f: {  	_ =	swait.ge [sflag:s21], $0x4000  }
0x70: {  	[sflag:s21] =	ssyncset.done $0x0  }
0x71: {  	[sflag:s21] =	ssyncadd.s32 $0xFFFFC000  }
0x72: {  	[spmem:s1] =	stream.indirect.scatter.add.f32 [tilespmem:s17], [sflag:$0x3], $0x80, s16, s16, $0xb8;
	[tilespmem:$0x1BE00] =	vst v63  }
0x73: {  	_ =	swait.ge [sflag:s15], $0x4000  }
0x74: {  	[sflag:s15] =	ssyncset.done $0x0  }
0x75: {  	[sflag:s15] =	ssyncadd.s32 $0xFFFFC000  }
0x76: {  	_ =	swait.ge [sflag:s22], $0x4000  }
0x77: {  	[sflag:s22] =	ssyncset.done $0x0  }
0x78: {  	[sflag:s22] =	ssyncadd.s32 $0xFFFFC000  }
0x79: {  	[spmem:s1] =	stream.indirect.scatter.add.f32 [tilespmem:s20], [sflag:$0x3], $0x80, s19, s16, $0xb8;
	[tilespmem:$0x1BE00] =	vst v63  }
0x7a: {  	_ =	swait.ge [sflag:s15], $0x4000  }
0x7b: {  	[sflag:s15] =	ssyncset.done $0x0  }
0x7c: {  	s23 =	sadd.s32 $0x1, s23;
	[sflag:s15] =	ssyncadd.s32 $0xFFFFC000  }
0x7d: {  	p0 =	sne.s32 s23, s12;
	[bflag:$0x0] =	sbarrier.arrive $0xFFFF  }
0x7e: {  	[hbm:s10], [sflag:s8] =	dma.local [spmem:s14], $0x2780  }
.Ltmp3:
0x7f: {  	_ = 	snop;
	(pc) =	sbr.rel @p0 .LBB2_1-.Ltmp3, $4  }
.Ltmp4:
0x80: {  	_ = 	snop;
	(pc) =	sbr.rel @!p0 .LBB2_6-.Ltmp4, $4  }
0x81: {  	_ =	swait.ge [sflag:s15], $0x2780  }
0x82: {  	[sflag:s15] =	ssyncset.done $0x0  }
0x83: {  	[sflag:s15] =	ssyncadd.s32 $0xFFFFD880  }
0x84: {  	_ = 	snop  }
.LBB2_3:
.Ltmp5:
0x85: {  	(pc) =	sbr.rel .LBB2_5-.Ltmp5, $2  }
0x86: {  	_ =	sdelay $0x2  }
0x87: {  	s25 =	smov.u32 s5  }
.LBB2_6:
0x88: {  	_ =	sfence.sel $0x180000  }
0x89: {  	[bflag:$0x0] =	sbarrier.arrive $0xFFFF  }
0x8a: {  	p0 =	sne.s32 s2, $0x0;
	_ =	strace $0x9000004A  }
0x8b: {  	s0 =	sadd.s32 @!p0 $0x100000, s0;
	[bflag:$0x2] =	sbarrier.arrive $0xFFFF  }
0x8c: {  	[sflag:s0] =	ssyncadd.tile.s32 @!p0 $0x1;
	_ =	shalt  }
.Lfunc_end2:
_tile_overlayer_lowered:
.L_overlay_start_2:
0x8d: {  	(tag) =	ssettag $0x2  }
0x8e: {  	s0 =	rddreg [dreg:$0x0];
	s2 =	stileid.u32  }
0x8f: {  	s1 =	rddreg [dreg:$0x1];
	p0 =	sne.s32 s2, $0x0  }
0x90: {  	s3 =	rddreg [dreg:$0x2];
	[bflag:$0x3] =	sbarrier.arrive $0xFFFF;
	s2 =	simm.s32 @!p0 $0x1C03  }
0x91: {  	[timem:s3], [sflag:s2] =	dma.local @!p0 [hbm:s0], s1  }
0x92: {  	s0 =	simm.s32 @!p0 $0x3  }
0x93: {  	_ =	swait.ge @!p0 [sflag:s0], s1  }
0x94: {  	s1 =	ssub.s32 @!p0 $0x0, s1;
	[sflag:s0] =	ssyncset.done @!p0 $0x0  }
0x95: {  	[sflag:s0] =	ssyncadd.s32 @!p0 s1  }
0x96: {  	[bflag:$0x3] =	sbarrier.arrive $0xFFFF  }
0x97: {  	_ =	shalt  }

// kernel: kernel.15.cloned.1.call-start
scs
__scs_entry_jumppad:
0x0: {  	(pc) =	sbr.rel $0x88, $3  }
0x1: {  	(tag) =	ssettag $0x0;
	lr =	simm.s32 $0x1  }
0x2: {  	[smem:$0x3F98] =	sst lr;
	_ =	strace $0xD0000000  }
0x3: {  	_ = 	snop  }
0x4: {  	_ = 	snop  }
0x5: {  	_ = 	snop  }
0x6: {  	_ = 	snop  }
0x7: {  	_ = 	snop  }
__scs_overlays_trampoline_lowered:
0x8: {  	[smem:$0x3FA7] =	sst s0  }
0x9: {  	[smem:$0x3FA8] =	sst s1  }
0xa: {  	[smem:$0x3FA9] =	sst s2  }
0xb: {  	[smem:$0x3FAA] =	sst s3  }
0xc: {  	[smem:$0x3FAB] =	sst s4  }
0xd: {  	[smem:$0x3FAC] =	sst s5  }
0xe: {  	[smem:$0x3FAD] =	sst s6  }
0xf: {  	[smem:$0x3FAE] =	sst s7  }
0x10: {  	[smem:$0x3FAF] =	sst s8  }
0x11: {  	[smem:$0x3FB0] =	sst s9;
	s0 =	simm.s32 @!p0 $0x0  }
0x12: {  	s1 =	sld [smem:$0x3F96];
	s0 =	simm.s32 @p0 $0x1  }
0x13: {  	[smem:$0x3FB1] =	sst s0;
	s0 =	simm.s32 @!p1 $0x0  }
0x14: {  	s2 =	sld [smem:$0x3F95];
	s0 =	simm.s32 @p1 $0x1  }
0x15: {  	[smem:$0x3FB2] =	sst s0;
	s0 =	simm.s32 @!p2 $0x0  }
0x16: {  	s3 =	sld [smem:$0x3FDB];
	s0 =	simm.s32 @p2 $0x1  }
0x17: {  	s4 =	simm.s32 $0x1BF5;
	[smem:$0x3FB4] =	sst s0  }
0x18: {  	s0 =	sld [smem:$0x3F97];
	_ =	swait.ge [sflag:s4], $0x0  }
0x19: {  	s7 =	sld [smem:$0x3F98]  }
0x1a: {  	s8 =	sadd.s32 $0xFFFFE003, lr  }
0x1b: {  	s9 =	sadd.s32 $0xFFFFFEF7, lr;
	s5 =	simm.s32 $0xFFFFFFFF;
	p2 =	slt.u32 s8, $0xFFFFF086  }
0x1c: {  	p1 =	slt.u32 s9, $0xF7A;
	s5 =	simm.s32 @!p2 $0x0  }
0x1d: {  	s5 =	simm.s32 @p1 $0x1;
	p0 =	seq.s32 s7, s2  }
0x1e: {  	s7 =	smul.u32 @!p0 $0xF7A, s2;
	p2 =	seq.s32 @!p0 s5, $0x0  }
0x1f: {  	s9 =	smul.u32 $0xF7A, s1;
	s8 =	simm.s32 @!p0 $0x1BF5;
	p2 =	por !p2, p0  }
0x20: {  	[sflag:s8] =	ssyncset.s32 @!p0 $0xFFFFF086;
	s6 =	sadd.s32 @!p0 s3, s7;
	s7 =	simm.s32 @!p0 $0x108  }
0x21: {  	s3 =	sadd.s32 s3, s9;
	s6 =	sadd.s32 @!p0 $0x88, s6;
	s7 =	simm.s32 @p2 $0x1082  }
0x22: {  	[simem:s7], [sflag:s8] =	dma.local @!p0 [hbm:s6], $0xF7A  }
0x23: {  	s9 =	sor.u32 $0xD0000000, s2;
	s6 =	simm.s32 $0x108;
	_ =	swait.ge @!p0 [sflag:s8], $0x0  }
0x24: {  	s3 =	sadd.s32 $0x88, s3;
	s6 =	simm.s32 @!p1 $0x1082;
	[sflag:s4] =	ssyncset.s32 $0xFFFFF086  }
0x25: {  	[simem:s6], [sflag:s4] =	dma.local [hbm:s3], $0xF7A  }
0x26: {  	[smem:$0x3F98] =	sst s1;
	(tag) =	ssettag s2;
	_ =	strace s9  }
0x27: {  	s1 =	sld [smem:$0x3FA8]  }
0x28: {  	s2 =	sld [smem:$0x3FA9]  }
0x29: {  	s4 =	sld [smem:$0x3FAB]  }
0x2a: {  	p0 =	seq.s32 s5, $0x0;
	s5 =	sld [smem:$0x3FAC]  }
0x2b: {  	s6 =	sld [smem:$0x3FAD]  }
0x2c: {  	s7 =	sld [smem:$0x3FAE]  }
0x2d: {  	s3 =	simm.s32 $0x108;
	s8 =	sld [smem:$0x3FAF]  }
0x2e: {  	s3 =	simm.s32 @!p0 $0x1082;
	s9 =	sld [smem:$0x3FB0]  }
0x2f: {  	lr =	sadd.s32 s0, s3;
	s0 =	sld [smem:$0x3FA7]  }
0x30: {  	s3 =	sld [smem:$0x3FAA]  }
0x31: {  	[smem:$0x3FB3] =	sst s10  }
0x32: {  	s10 =	sld [smem:$0x3FB1];
	_ =	sdelay $0x3  }
0x33: {  	p0 =	seq.s32 s10, $0x1;
	s10 =	sld [smem:$0x3FB3];
	_ =	sdelay $0x3  }
0x34: {  	[smem:$0x3FB3] =	sst s10  }
0x35: {  	s10 =	sld [smem:$0x3FB2];
	_ =	sdelay $0x3  }
0x36: {  	p1 =	seq.s32 s10, $0x1;
	s10 =	sld [smem:$0x3FB3];
	_ =	sdelay $0x3  }
0x37: {  	[smem:$0x3FB3] =	sst s10  }
0x38: {  	s10 =	sld [smem:$0x3FB4]  }
0x39: {  	_ = 	snop;
	(pc) =	sbr.ind lr, $3  }
0x3a: {  	_ = 	snop  }
0x3b: {  	_ = 	snop  }
0x3c: {  	p2 =	seq.s32 s10, $0x1;
	s10 =	sld [smem:$0x3FB3]  }
0x3d: {  	_ =	shalt  }
0x3e: {  	_ =	shalt  }
0x3f: {  	_ =	shalt  }
0x40: {  	_ =	shalt  }
0x41: {  	_ =	shalt  }
0x42: {  	_ =	shalt  }
0x43: {  	_ =	shalt  }
0x44: {  	_ =	shalt  }
0x45: {  	_ =	shalt  }
0x46: {  	_ =	shalt  }
0x47: {  	_ =	shalt  }
0x48: {  	_ =	shalt  }
0x49: {  	_ =	shalt  }
0x4a: {  	_ =	shalt  }
0x4b: {  	_ =	shalt  }
0x4c: {  	_ =	shalt  }
0x4d: {  	_ =	shalt  }
0x4e: {  	_ =	shalt  }
0x4f: {  	_ =	shalt  }
0x50: {  	_ =	shalt  }
0x51: {  	_ =	shalt  }
0x52: {  	_ =	shalt  }
0x53: {  	_ =	shalt  }
0x54: {  	_ =	shalt  }
0x55: {  	_ =	shalt  }
0x56: {  	_ =	shalt  }
0x57: {  	_ =	shalt  }
0x58: {  	_ =	shalt  }
0x59: {  	_ =	shalt  }
0x5a: {  	_ =	shalt  }
0x5b: {  	_ =	shalt  }
0x5c: {  	_ =	shalt  }
0x5d: {  	_ =	shalt  }
0x5e: {  	_ =	shalt  }
0x5f: {  	_ =	shalt  }
0x60: {  	_ =	shalt  }
0x61: {  	_ =	shalt  }
0x62: {  	_ =	shalt  }
0x63: {  	_ =	shalt  }
0x64: {  	_ =	shalt  }
0x65: {  	_ =	shalt  }
0x66: {  	_ =	shalt  }
0x67: {  	_ =	shalt  }
0x68: {  	_ =	shalt  }
0x69: {  	_ =	shalt  }
0x6a: {  	_ =	shalt  }
0x6b: {  	_ =	shalt  }
0x6c: {  	_ =	shalt  }
0x6d: {  	_ =	shalt  }
0x6e: {  	_ =	shalt  }
0x6f: {  	_ =	shalt  }
0x70: {  	_ =	shalt  }
0x71: {  	_ =	shalt  }
0x72: {  	_ =	shalt  }
0x73: {  	_ =	shalt  }
0x74: {  	_ =	shalt  }
0x75: {  	_ =	shalt  }
0x76: {  	_ =	shalt  }
0x77: {  	_ =	shalt  }
0x78: {  	_ =	shalt  }
0x79: {  	_ =	shalt  }
0x7a: {  	_ =	shalt  }
0x7b: {  	_ =	shalt  }
0x7c: {  	_ =	shalt  }
0x7d: {  	_ =	shalt  }
0x7e: {  	_ =	shalt  }
0x7f: {  	_ =	shalt  }
0x80: {  	_ =	shalt  }
0x81: {  	_ =	shalt  }
0x82: {  	_ =	shalt  }
0x83: {  	_ =	shalt  }
0x84: {  	_ =	shalt  }
0x85: {  	_ =	shalt  }
0x86: {  	_ =	shalt  }
0x87: {  	_ =	shalt  }
.Lfunc_end0:
.L_simem_size_0:
called_computation.2_lowered:
.L_overlay_start_0:
0x88: {  	s2 =	sld [smem:$0x3FD9]  }
0x89: {  	s3 =	sld [smem:$0x3FFE];
	_ =	sdelay $0x1  }
0x8a: {  	s1 =	srdreg.scid  }
0x8b: {  	s0 =	sand.u32 $0x1, s1  }
0x8c: {  	s16 =	sshll.u32 s0, $0xA;
	s2 =	sadd.s32 s3, s2  }
0x8d: {  	s2 =	sadd.s32 s2, s16  }
0x8e: {  	[smem:$0x3FBF] =	sst s2  }
0x8f: {  	_ = 	snop  }
0x90: {  	(tm) =	ssettm $0x1  }
0x91: {  	s17 =	sld [smem:$0x3FFB];
	_ =	sdelay $0x3  }
0x92: {  	_ =	strace s17  }
0x93: {  	s2 =	sld [smem:$0x3FFC];
	_ =	sdelay $0x3  }
0x94: {  	_ =	strace s2  }
0x95: {  	s2 =	sld [smem:$0x3FFD];
	_ =	sdelay $0x3  }
0x96: {  	_ =	strace s2  }
0x97: {  	_ =	strace $0x8FFFFFFF  }
0x98: {  	s18 =	sld [smem:$0x3FDB];
	_ =	sdelay $0x1  }
0x99: {  	s19 =	simm.s32 $_scs_section_size  }
0x9a: {  	s4 =	simm.s32 $_size__tile_overlayer_lowered;
	s5 =	simm.s32 $_tile_overlayer_lowered  }
0x9b: {  	s22 =	simm.s32 $0x1BFF;
	s21 =	sshll.u32 s5, $0x1;
	s2 =	sadd.s32 s19, s18  }
0x9c: {  	s6 =	simm.s32 $0x0;
	s20 =	sshll.u32 s4, $0x1;
	s4 =	sadd.s32 s21, s2  }
0x9d: {  	[timem:s6], [sflag:s22] =	dma.local [hbm:s4], s20  }
0x9e: {  	_ =	swait.ge [sflag:s22], s20  }
0x9f: {  	s3 =	ssub.s32 $0x0, s20;
	[sflag:s22] =	ssyncset.done $0x0  }
0xa0: {  	[sflag:s22] =	ssyncadd.s32 s3;
	_ =	sdelay $0x1  }
0xa1: {  	s23 =	simm.s32 $0x1B8B  }
0xa2: {  	_ =	swait.ge [sflag:s23], $0x1  }
0xa3: {  	[sflag:s23] =	ssyncset.done $0x0  }
0xa4: {  	s25 =	simm.s32 $0x1B8E;
	s24 =	sld [smem:$0x3FFE];
	[sflag:s23] =	ssyncadd.s32 $0xFFFFFFFF  }
0xa5: {  	s26 =	simm.s32 $execute0_lowered;
	[smem:$0x3FD2] =	sst s25  }
0xa6: {  	s4 =	sshll.u32 s26, $0x1;
	_ =	strace $0x8000004C;
	[dreg:$0x1] =	wrdreg $0xFFFFFFFF  }
0xa7: {  	s28 =	simm.s32 $_size_execute0_lowered;
	s2 =	sadd.s32 s2, s4;
	[dreg:$0x0] =	wrdreg $0x0  }
0xa8: {  	s4 =	sshll.u32 s28, $0x1;
	[dreg:$0x2] =	wrdreg s2  }
0xa9: {  	[dreg:$0x3] =	wrdreg s4  }
0xaa: {  	[dreg:$0x4] =	wrdreg $0xC0  }
0xab: {  	_ =	task [dreg:s6], $0x5FFFF  }
0xac: {  	[dreg:$0x1] =	wrdreg $0xFFFFFFFF  }
0xad: {  	[dreg:$0x0] =	wrdreg $0x60  }
0xae: {  	[dreg:$0x2] =	wrdreg s24  }
0xaf: {  	[dreg:$0x3] =	wrdreg $0x82000  }
0xb0: {  	[dreg:$0x4] =	wrdreg $0x9  }
0xb1: {  	_ =	task.clear_ibuf [dreg:s6], $0x5FFFF;
	_ =	strace $0x9000004C  }
0xb2: {  	s29 =	simm.s32 $0x9;
	_ =	strace $0x8000004E  }
0xb3: {  	_ =	swait.ge [sflag:s29], $0x1  }
0xb4: {  	[sflag:s29] =	ssyncadd.s32 $0xFFFFFFFF  }
0xb5: {  	_ =	strace $0x9000004E  }
0xb6: {  	_ =	sfence  }
0xb7: {  	s30 =	sld [smem:$0x0];
	_ =	sdelay $0x2  }
0xb8: {  	s31 =	sshll.u32 s1, $0xD;
	s1 =	sshrl.u32 s1, $0x2  }
0xb9: {  	s3 =	sand.u32 $0x4000, s31;
	s1 =	sadd.s32 s1, s30  }
0xba: {  	s0 =	sor.u32 s3, s0;
	s1 =	sshll.u32 s1, $0x11  }
0xbb: {  	s0 =	sor.u32 s1, s0  }
0xbc: {  	s0 =	sadd.s32 $0x8F2B, s0  }
0xbd: {  	[sflag:s0] =	ssyncadd.remote.s32 $0x1  }
0xbe: {  	_ =	sfence.sel $0xFFFF  }
0xbf: {  	[dreg:$0x0] =	wrdreg $0xFFFFFFFF;
	(pc) =	sbr.abs _section_cstart, $3  }
0xc0: {  	[dreg:$0x1] =	wrdreg $0xFFFFFFFF  }
0xc1: {  	_ =	task.clear_ibuf [dreg:s6], $0x2FFFF;
	_ =	strace $0x9FFFFFFF  }
0xc2: {  	(tm) =	ssettm $0x7FFFFFFF  }
0xc3: {  	_ =	shalt  }
tec
execute0_lowered:
.L_overlay_start_1:
0x0: {  	(tag) =	ssettag $0x1  }
0x1: {  	s8 =	rddreg [dreg:$0x0]  }
0x2: {  	s1 =	rddreg [dreg:$0x1]  }
0x3: {  	s2 =	srdreg.scid;
	s0 =	rddreg [dreg:$0x2];
	s3 =	simm.s32 $0x0  }
0x4: {  	s15 =	simm.s32 $0x3;
	s16 =	simm.s32 $0x80;
	s17 =	simm.s32 $0x200  }
0x5: {  	s18 =	simm.s32 $0x100;
	s19 =	simm.s32 $0x180;
	s20 =	simm.s32 $0x4200  }
0x6: {  	s21 =	simm.s32 $0x1;
	s22 =	simm.s32 $0x2;
	s9 =	sand.u32 $0x1, s2  }
0x7: {  	s23 =	simm.s32 $0x0;
	s2 =	stileid.u32;
	s6 =	smul.u32 $0x13C000, s9  }
0x8: {  	[smem:$0x7FF] =	sst s3;
	s4 =	sadd.s32 $0x5E000, s8;
	s7 =	smul.u32 $0x13C00, s2  }
0x9: {  	s5 =	sadd.s32 $0x2000, s8;
	_ =	strace $0x8000004D;
	s11 =	smul.u32 $0x4F000, s2  }
0xa: {  	s30 =	ssub.s32 $0x2, s9;
	s13 =	smul.u32 $0x1400, s2;
	s31 =	sshll.u32 s2, $0x6  }
0xb: {  	p0 =	seq.s32 s9, $0x0;
	s9 =	simm.s32 $0x3B;
	s12 =	sshrl.u32 s30, $0x1  }
0xc: {  	s9 =	simm.s32 @!p0 $0x14;
	s7 =	sadd.s32 s7, s6;
	s11 =	sshrl.u32 s11, $0x2  }
0xd: {  	s6 =	sadd.s32 $0x68000, s8;
	s14 =	sadd.s32 s11, s1;
	s11 =	smul.u32 $0x3B00, s2  }
0xe: {  	s12 =	ssub.s32 s30, s12;
	s13 =	sadd.s32 $0x3B000, s13;
	s10 =	sshrl.u32 s7, $0x3  }
0xf: {  	s7 =	sadd.s32 $0xC000, s8;
	s12 =	smax.u32 s12, $0x1;
	s13 =	smov.u32 @p0 s11  }
0x10: {  	s10 =	sadd.s32 s10, s8;
	s8 =	sor.u32 $0x1C03, s31;
	s11 =	sshrl.u32 s13, $0x3  }
0x11: {  	s14 =	sshrl.u32 s14, $0x3;
	s10 =	sadd.s32 $0x8F800, s10;
	s13 =	sor.u32 $0x10, s11  }
.LBB2_1:
0x12: {  	[spmem:s14], [sflag:s8] =	dma.local [hbm:s7], $0x2780  }
0x13: {  	p1 =	sne.s32 s9, $0x1  }
.Ltmp0:
0x14: {  	_ =	swait.ge [sflag:s15], $0x2780;
	(pc) =	sbr.rel @!p1 .LBB2_5-.Ltmp0, $4  }
0x15: {  	[sflag:s15] =	ssyncset.done $0x0  }
0x16: {  	[sflag:s15] =	ssyncadd.s32 $0xFFFFD880  }
0x17: {  	s26 =	sadd.s32 $0xFFFFFFFF, s9;
	[bflag:$0x0] =	sbarrier.arrive $0xFFFF  }
0x18: {  	p0 =	por $0x0, $0x0;
	s24 =	smov.u32 s4;
	s25 =	smov.u32 s5  }
0x19: {  	s24 =	sadd.s32 s4, s11  }
0x1a: {  	[tilespmem:s3], [sflag:$0x3] =	stream.linear.gather [hbm4b:s24+s3], $0x80, $0x38;
	[tilespmem:$0x1BE00] =	vst v63  }
0x1b: {  	_ =	swait.ge [sflag:s15], $0x80  }
0x1c: {  	[sflag:s15] =	ssyncset.done $0x0  }
0x1d: {  	s29 =	sadd.s32 s5, s11;
	[sflag:s15] =	ssyncadd.s32 $0xFFFFFF80  }
0x1e: {  	[tilespmem:s16], [sflag:$0x3] =	stream.linear.gather [hbm4b:s29+s3], $0x80, $0x38;
	[tilespmem:$0x1BE00] =	vst v63  }
0x1f: {  	_ =	swait.ge [sflag:s15], $0x80  }
0x20: {  	[sflag:s15] =	ssyncset.done $0x0  }
0x21: {  	[sflag:s15] =	ssyncadd.s32 $0xFFFFFF80  }
0x22: {  	[tilespmem:s17], [sflag:$0x1] =	stream.indirect.gather [hbm4b:s6+s16], $0x80, s3, s16, $0xb8;
	[tilespmem:$0x1BE00] =	vst v63  }
0x23: {  	s30 =	sadd.s32 s4, s13  }
0x24: {  	[tilespmem:s18], [sflag:$0x3] =	stream.linear.gather [hbm4b:s30+s3], $0x80, $0x38;
	[tilespmem:$0x1BE00] =	vst v63  }
0x25: {  	_ =	swait.ge [sflag:s15], $0x80  }
0x26: {  	[sflag:s15] =	ssyncset.done $0x0  }
0x27: {  	s31 =	sadd.s32 s5, s13;
	[sflag:s15] =	ssyncadd.s32 $0xFFFFFF80  }
0x28: {  	[tilespmem:s19], [sflag:$0x3] =	stream.linear.gather [hbm4b:s31+s3], $0x80, $0x38;
	[tilespmem:$0x1BE00] =	vst v63  }
0x29: {  	_ =	swait.ge [sflag:s15], $0x80  }
0x2a: {  	[sflag:s15] =	ssyncset.done $0x0  }
0x2b: {  	[sflag:s15] =	ssyncadd.s32 $0xFFFFFF80  }
0x2c: {  	[tilespmem:s20], [sflag:$0x2] =	stream.indirect.gather [hbm4b:s6+s16], $0x80, s18, s16, $0xb8;
	[tilespmem:$0x1BE00] =	vst v63  }
0x2d: {  	_ =	swait.ge [sflag:s21], $0x4000  }
0x2e: {  	[sflag:s21] =	ssyncset.done $0x0  }
0x2f: {  	[sflag:s21] =	ssyncadd.s32 $0xFFFFC000  }
0x30: {  	[spmem:s1] =	stream.indirect.scatter.add.f32 [tilespmem:s17], [sflag:$0x3], $0x80, s16, s16, $0xb8;
	[tilespmem:$0x1BE00] =	vst v63  }
0x31: {  	_ =	swait.ge [sflag:s15], $0x4000  }
0x32: {  	[sflag:s15] =	ssyncset.done $0x0  }
0x33: {  	[sflag:s15] =	ssyncadd.s32 $0xFFFFC000  }
0x34: {  	p1 =	sne.s32 s26, $0x1;
	_ =	swait.ge [sflag:s22], $0x4000  }
.Ltmp1:
0x35: {  	[sflag:s22] =	ssyncset.done $0x0;
	(pc) =	sbr.rel @!p1 .LBB2_3-.Ltmp1, $4  }
0x36: {  	[sflag:s22] =	ssyncadd.s32 $0xFFFFC000  }
0x37: {  	[spmem:s1] =	stream.indirect.scatter.add.f32 [tilespmem:s20], [sflag:$0x3], $0x80, s19, s16, $0xb8;
	[tilespmem:$0x1BE00] =	vst v63  }
0x38: {  	s26 =	sadd.s32 $0xFFFFFFFF, s26;
	p0 =	por $0x1, $0x1;
	_ =	swait.ge [sflag:s15], $0x4000  }
0x39: {  	s25 =	smov.u32 s5;
	s24 =	sadd.s32 $0x20, s4;
	[sflag:s15] =	ssyncset.done $0x0  }
.LBB2_4:
0x3a: {  	s28 =	sadd.s32 s24, s11;
	[sflag:s15] =	ssyncadd.s32 $0xFFFFC000;
	s25 =	sadd.s32 $0x20, s25  }
0x3b: {  	[tilespmem:s3], [sflag:$0x3] =	stream.linear.gather [hbm4b:s28+s3], $0x80, $0x38;
	[tilespmem:$0x1BE00] =	vst v63  }
0x3c: {  	p1 =	sne.s32 s26, $0x1;
	s26 =	sadd.s32 $0xFFFFFFFF, s26;
	_ =	swait.ge [sflag:s15], $0x80  }
0x3d: {  	[sflag:s15] =	ssyncset.done $0x0  }
0x3e: {  	s28 =	sadd.s32 s25, s11;
	[sflag:s15] =	ssyncadd.s32 $0xFFFFFF80  }
0x3f: {  	[tilespmem:s16], [sflag:$0x3] =	stream.linear.gather [hbm4b:s28+s3], $0x80, $0x38;
	[tilespmem:$0x1BE00] =	vst v63  }
0x40: {  	_ =	swait.ge [sflag:s15], $0x80  }
0x41: {  	[sflag:s15] =	ssyncset.done $0x0  }
0x42: {  	[sflag:s15] =	ssyncadd.s32 $0xFFFFFF80  }
0x43: {  	[tilespmem:s17], [sflag:$0x1] =	stream.indirect.gather [hbm4b:s6+s16], $0x80, s3, s16, $0xb8;
	[tilespmem:$0x1BE00] =	vst v63  }
0x44: {  	s28 =	sadd.s32 s24, s13  }
0x45: {  	[tilespmem:s18], [sflag:$0x3] =	stream.linear.gather [hbm4b:s28+s3], $0x80, $0x38;
	[tilespmem:$0x1BE00] =	vst v63  }
0x46: {  	_ =	swait.ge [sflag:s15], $0x80  }
0x47: {  	[sflag:s15] =	ssyncset.done $0x0  }
0x48: {  	s28 =	sadd.s32 s25, s13;
	[sflag:s15] =	ssyncadd.s32 $0xFFFFFF80  }
0x49: {  	[tilespmem:s19], [sflag:$0x3] =	stream.linear.gather [hbm4b:s28+s3], $0x80, $0x38;
	[tilespmem:$0x1BE00] =	vst v63  }
0x4a: {  	_ =	swait.ge [sflag:s15], $0x80  }
0x4b: {  	[sflag:s15] =	ssyncset.done $0x0  }
0x4c: {  	[sflag:s15] =	ssyncadd.s32 $0xFFFFFF80  }
0x4d: {  	[tilespmem:s20], [sflag:$0x2] =	stream.indirect.gather [hbm4b:s6+s16], $0x80, s18, s16, $0xb8;
	[tilespmem:$0x1BE00] =	vst v63  }
0x4e: {  	_ =	swait.ge [sflag:s21], $0x4000  }
0x4f: {  	[sflag:s21] =	ssyncset.done $0x0  }
0x50: {  	[sflag:s21] =	ssyncadd.s32 $0xFFFFC000  }
0x51: {  	[spmem:s1] =	stream.indirect.scatter.add.f32 [tilespmem:s17], [sflag:$0x3], $0x80, s16, s16, $0xb8;
	[tilespmem:$0x1BE00] =	vst v63  }
0x52: {  	_ =	swait.ge [sflag:s15], $0x4000  }
0x53: {  	[sflag:s15] =	ssyncset.done $0x0  }
0x54: {  	[sflag:s15] =	ssyncadd.s32 $0xFFFFC000  }
0x55: {  	_ =	swait.ge [sflag:s22], $0x4000  }
.Ltmp2:
0x56: {  	[sflag:s22] =	ssyncset.done $0x0;
	(pc) =	sbr.rel @p1 .LBB2_4-.Ltmp2, $4  }
0x57: {  	[sflag:s22] =	ssyncadd.s32 $0xFFFFC000  }
0x58: {  	[spmem:s1] =	stream.indirect.scatter.add.f32 [tilespmem:s20], [sflag:$0x3], $0x80, s19, s16, $0xb8;
	[tilespmem:$0x1BE00] =	vst v63  }
0x59: {  	_ =	swait.ge [sflag:s15], $0x4000  }
0x5a: {  	s24 =	sadd.s32 $0x20, s24;
	[sflag:s15] =	ssyncset.done $0x0  }
.LBB2_5:
0x5b: {  	s26 =	sadd.s32 s24, s11;
	[sflag:s15] =	ssyncadd.s32 @p0 $0xFFFFC000  }
0x5c: {  	[tilespmem:s3], [sflag:$0x3] =	stream.linear.gather [hbm4b:s26+s3], $0x80, $0x38;
	[tilespmem:$0x1BE00] =	vst v63  }
0x5d: {  	s25 =	sadd.s32 @p0 $0x20, s25;
	s26 =	smov.u32 s5;
	_ =	swait.ge [sflag:s15], $0x80  }
0x5e: {  	s26 =	smov.u32 @p0 s25;
	[sflag:s15] =	ssyncset.done $0x0  }
0x5f: {  	s25 =	sadd.s32 s26, s11;
	[sflag:s15] =	ssyncadd.s32 $0xFFFFFF80  }
0x60: {  	[tilespmem:s16], [sflag:$0x3] =	stream.linear.gather [hbm4b:s25+s3], $0x80, $0x38;
	[tilespmem:$0x1BE00] =	vst v63  }
0x61: {  	_ =	swait.ge [sflag:s15], $0x80  }
0x62: {  	[sflag:s15] =	ssyncset.done $0x0  }
0x63: {  	[sflag:s15] =	ssyncadd.s32 $0xFFFFFF80  }
0x64: {  	[tilespmem:s17], [sflag:$0x1] =	stream.indirect.gather [hbm4b:s6+s16], $0x80, s3, s16, $0xb8;
	[tilespmem:$0x1BE00] =	vst v63  }
0x65: {  	s30 =	sadd.s32 s24, s13  }
0x66: {  	[tilespmem:s18], [sflag:$0x3] =	stream.linear.gather [hbm4b:s30+s3], $0x80, $0x38;
	[tilespmem:$0x1BE00] =	vst v63  }
0x67: {  	_ =	swait.ge [sflag:s15], $0x80  }
0x68: {  	[sflag:s15] =	ssyncset.done $0x0  }
0x69: {  	s31 =	sadd.s32 s26, s13;
	[sflag:s15] =	ssyncadd.s32 $0xFFFFFF80  }
0x6a: {  	[tilespmem:s19], [sflag:$0x3] =	stream.linear.gather [hbm4b:s31+s3], $0x80, $0x38;
	[tilespmem:$0x1BE00] =	vst v63  }
0x6b: {  	_ =	swait.ge [sflag:s15], $0x80  }
0x6c: {  	[sflag:s15] =	ssyncset.done $0x0  }
0x6d: {  	[sflag:s15] =	ssyncadd.s32 $0xFFFFFF80  }
0x6e: {  	[tilespmem:s20], [sflag:$0x2] =	stream.indirect.gather [hbm4b:s6+s16], $0x80, s18, s16, $0xb8;
	[tilespmem:$0x1BE00] =	vst v63  }
0x6f: {  	_ =	swait.ge [sflag:s21], $0x4000  }
0x70: {  	[sflag:s21] =	ssyncset.done $0x0  }
0x71: {  	[sflag:s21] =	ssyncadd.s32 $0xFFFFC000  }
0x72: {  	[spmem:s1] =	stream.indirect.scatter.add.f32 [tilespmem:s17], [sflag:$0x3], $0x80, s16, s16, $0xb8;
	[tilespmem:$0x1BE00] =	vst v63  }
0x73: {  	_ =	swait.ge [sflag:s15], $0x4000  }
0x74: {  	[sflag:s15] =	ssyncset.done $0x0  }
0x75: {  	[sflag:s15] =	ssyncadd.s32 $0xFFFFC000  }
0x76: {  	_ =	swait.ge [sflag:s22], $0x4000  }
0x77: {  	[sflag:s22] =	ssyncset.done $0x0  }
0x78: {  	[sflag:s22] =	ssyncadd.s32 $0xFFFFC000  }
0x79: {  	[spmem:s1] =	stream.indirect.scatter.add.f32 [tilespmem:s20], [sflag:$0x3], $0x80, s19, s16, $0xb8;
	[tilespmem:$0x1BE00] =	vst v63  }
0x7a: {  	_ =	swait.ge [sflag:s15], $0x4000  }
0x7b: {  	[sflag:s15] =	ssyncset.done $0x0  }
0x7c: {  	s23 =	sadd.s32 $0x1, s23;
	[sflag:s15] =	ssyncadd.s32 $0xFFFFC000  }
0x7d: {  	p0 =	sne.s32 s23, s12;
	[bflag:$0x0] =	sbarrier.arrive $0xFFFF  }
0x7e: {  	[hbm:s10], [sflag:s8] =	dma.local [spmem:s14], $0x2780  }
.Ltmp3:
0x7f: {  	_ = 	snop;
	(pc) =	sbr.rel @p0 .LBB2_1-.Ltmp3, $4  }
.Ltmp4:
0x80: {  	_ = 	snop;
	(pc) =	sbr.rel @!p0 .LBB2_6-.Ltmp4, $4  }
0x81: {  	_ =	swait.ge [sflag:s15], $0x2780  }
0x82: {  	[sflag:s15] =	ssyncset.done $0x0  }
0x83: {  	[sflag:s15] =	ssyncadd.s32 $0xFFFFD880  }
0x84: {  	_ = 	snop  }
.LBB2_3:
.Ltmp5:
0x85: {  	(pc) =	sbr.rel .LBB2_5-.Ltmp5, $2  }
0x86: {  	_ =	sdelay $0x2  }
0x87: {  	s25 =	smov.u32 s5  }
.LBB2_6:
0x88: {  	_ =	sfence.sel $0x180000  }
0x89: {  	[bflag:$0x0] =	sbarrier.arrive $0xFFFF  }
0x8a: {  	p0 =	sne.s32 s2, $0x0;
	_ =	strace $0x9000004D  }
0x8b: {  	s0 =	sadd.s32 @!p0 $0x100000, s0;
	[bflag:$0x2] =	sbarrier.arrive $0xFFFF  }
0x8c: {  	[sflag:s0] =	ssyncadd.tile.s32 @!p0 $0x1;
	_ =	shalt  }
.Lfunc_end2:
_tile_overlayer_lowered:
.L_overlay_start_2:
0x8d: {  	(tag) =	ssettag $0x2  }
0x8e: {  	s0 =	rddreg [dreg:$0x0];
	s2 =	stileid.u32  }
0x8f: {  	s1 =	rddreg [dreg:$0x1];
	p0 =	sne.s32 s2, $0x0  }
0x90: {  	s3 =	rddreg [dreg:$0x2];
	[bflag:$0x3] =	sbarrier.arrive $0xFFFF;
	s2 =	simm.s32 @!p0 $0x1C03  }
0x91: {  	[timem:s3], [sflag:s2] =	dma.local @!p0 [hbm:s0], s1  }
0x92: {  	s0 =	simm.s32 @!p0 $0x3  }
0x93: {  	_ =	swait.ge @!p0 [sflag:s0], s1  }
0x94: {  	s1 =	ssub.s32 @!p0 $0x0, s1;
	[sflag:s0] =	ssyncset.done @!p0 $0x0  }
0x95: {  	[sflag:s0] =	ssyncadd.s32 @!p0 s1  }
0x96: {  	[bflag:$0x3] =	sbarrier.arrive $0xFFFF  }
0x97: {  	_ =	shalt  }

// kernel: kernel.9.cloned.1.call-start
scs
__scs_entry_jumppad:
0x0: {  	(pc) =	sbr.rel $0x88, $3  }
0x1: {  	(tag) =	ssettag $0x0;
	lr =	simm.s32 $0x1  }
0x2: {  	[smem:$0x3F98] =	sst lr;
	_ =	strace $0xD0000000  }
0x3: {  	_ = 	snop  }
0x4: {  	_ = 	snop  }
0x5: {  	_ = 	snop  }
0x6: {  	_ = 	snop  }
0x7: {  	_ = 	snop  }
__scs_overlays_trampoline_lowered:
0x8: {  	[smem:$0x3FA7] =	sst s0  }
0x9: {  	[smem:$0x3FA8] =	sst s1  }
0xa: {  	[smem:$0x3FA9] =	sst s2  }
0xb: {  	[smem:$0x3FAA] =	sst s3  }
0xc: {  	[smem:$0x3FAB] =	sst s4  }
0xd: {  	[smem:$0x3FAC] =	sst s5  }
0xe: {  	[smem:$0x3FAD] =	sst s6  }
0xf: {  	[smem:$0x3FAE] =	sst s7  }
0x10: {  	[smem:$0x3FAF] =	sst s8  }
0x11: {  	[smem:$0x3FB0] =	sst s9;
	s0 =	simm.s32 @!p0 $0x0  }
0x12: {  	s1 =	sld [smem:$0x3F96];
	s0 =	simm.s32 @p0 $0x1  }
0x13: {  	[smem:$0x3FB1] =	sst s0;
	s0 =	simm.s32 @!p1 $0x0  }
0x14: {  	s2 =	sld [smem:$0x3F95];
	s0 =	simm.s32 @p1 $0x1  }
0x15: {  	[smem:$0x3FB2] =	sst s0;
	s0 =	simm.s32 @!p2 $0x0  }
0x16: {  	s3 =	sld [smem:$0x3FDB];
	s0 =	simm.s32 @p2 $0x1  }
0x17: {  	s4 =	simm.s32 $0x1BF5;
	[smem:$0x3FB4] =	sst s0  }
0x18: {  	s0 =	sld [smem:$0x3F97];
	_ =	swait.ge [sflag:s4], $0x0  }
0x19: {  	s7 =	sld [smem:$0x3F98]  }
0x1a: {  	s8 =	sadd.s32 $0xFFFFE003, lr  }
0x1b: {  	s9 =	sadd.s32 $0xFFFFFEF7, lr;
	s5 =	simm.s32 $0xFFFFFFFF;
	p2 =	slt.u32 s8, $0xFFFFF086  }
0x1c: {  	p1 =	slt.u32 s9, $0xF7A;
	s5 =	simm.s32 @!p2 $0x0  }
0x1d: {  	s5 =	simm.s32 @p1 $0x1;
	p0 =	seq.s32 s7, s2  }
0x1e: {  	s7 =	smul.u32 @!p0 $0xF7A, s2;
	p2 =	seq.s32 @!p0 s5, $0x0  }
0x1f: {  	s9 =	smul.u32 $0xF7A, s1;
	s8 =	simm.s32 @!p0 $0x1BF5;
	p2 =	por !p2, p0  }
0x20: {  	[sflag:s8] =	ssyncset.s32 @!p0 $0xFFFFF086;
	s6 =	sadd.s32 @!p0 s3, s7;
	s7 =	simm.s32 @!p0 $0x108  }
0x21: {  	s3 =	sadd.s32 s3, s9;
	s6 =	sadd.s32 @!p0 $0x88, s6;
	s7 =	simm.s32 @p2 $0x1082  }
0x22: {  	[simem:s7], [sflag:s8] =	dma.local @!p0 [hbm:s6], $0xF7A  }
0x23: {  	s9 =	sor.u32 $0xD0000000, s2;
	s6 =	simm.s32 $0x108;
	_ =	swait.ge @!p0 [sflag:s8], $0x0  }
0x24: {  	s3 =	sadd.s32 $0x88, s3;
	s6 =	simm.s32 @!p1 $0x1082;
	[sflag:s4] =	ssyncset.s32 $0xFFFFF086  }
0x25: {  	[simem:s6], [sflag:s4] =	dma.local [hbm:s3], $0xF7A  }
0x26: {  	[smem:$0x3F98] =	sst s1;
	(tag) =	ssettag s2;
	_ =	strace s9  }
0x27: {  	s1 =	sld [smem:$0x3FA8]  }
0x28: {  	s2 =	sld [smem:$0x3FA9]  }
0x29: {  	s4 =	sld [smem:$0x3FAB]  }
0x2a: {  	p0 =	seq.s32 s5, $0x0;
	s5 =	sld [smem:$0x3FAC]  }
0x2b: {  	s6 =	sld [smem:$0x3FAD]  }
0x2c: {  	s7 =	sld [smem:$0x3FAE]  }
0x2d: {  	s3 =	simm.s32 $0x108;
	s8 =	sld [smem:$0x3FAF]  }
0x2e: {  	s3 =	simm.s32 @!p0 $0x1082;
	s9 =	sld [smem:$0x3FB0]  }
0x2f: {  	lr =	sadd.s32 s0, s3;
	s0 =	sld [smem:$0x3FA7]  }
0x30: {  	s3 =	sld [smem:$0x3FAA]  }
0x31: {  	[smem:$0x3FB3] =	sst s10  }
0x32: {  	s10 =	sld [smem:$0x3FB1];
	_ =	sdelay $0x3  }
0x33: {  	p0 =	seq.s32 s10, $0x1;
	s10 =	sld [smem:$0x3FB3];
	_ =	sdelay $0x3  }
0x34: {  	[smem:$0x3FB3] =	sst s10  }
0x35: {  	s10 =	sld [smem:$0x3FB2];
	_ =	sdelay $0x3  }
0x36: {  	p1 =	seq.s32 s10, $0x1;
	s10 =	sld [smem:$0x3FB3];
	_ =	sdelay $0x3  }
0x37: {  	[smem:$0x3FB3] =	sst s10  }
0x38: {  	s10 =	sld [smem:$0x3FB4]  }
0x39: {  	_ = 	snop;
	(pc) =	sbr.ind lr, $3  }
0x3a: {  	_ = 	snop  }
0x3b: {  	_ = 	snop  }
0x3c: {  	p2 =	seq.s32 s10, $0x1;
	s10 =	sld [smem:$0x3FB3]  }
0x3d: {  	_ =	shalt  }
0x3e: {  	_ =	shalt  }
0x3f: {  	_ =	shalt  }
0x40: {  	_ =	shalt  }
0x41: {  	_ =	shalt  }
0x42: {  	_ =	shalt  }
0x43: {  	_ =	shalt  }
0x44: {  	_ =	shalt  }
0x45: {  	_ =	shalt  }
0x46: {  	_ =	shalt  }
0x47: {  	_ =	shalt  }
0x48: {  	_ =	shalt  }
0x49: {  	_ =	shalt  }
0x4a: {  	_ =	shalt  }
0x4b: {  	_ =	shalt  }
0x4c: {  	_ =	shalt  }
0x4d: {  	_ =	shalt  }
0x4e: {  	_ =	shalt  }
0x4f: {  	_ =	shalt  }
0x50: {  	_ =	shalt  }
0x51: {  	_ =	shalt  }
0x52: {  	_ =	shalt  }
0x53: {  	_ =	shalt  }
0x54: {  	_ =	shalt  }
0x55: {  	_ =	shalt  }
0x56: {  	_ =	shalt  }
0x57: {  	_ =	shalt  }
0x58: {  	_ =	shalt  }
0x59: {  	_ =	shalt  }
0x5a: {  	_ =	shalt  }
0x5b: {  	_ =	shalt  }
0x5c: {  	_ =	shalt  }
0x5d: {  	_ =	shalt  }
0x5e: {  	_ =	shalt  }
0x5f: {  	_ =	shalt  }
0x60: {  	_ =	shalt  }
0x61: {  	_ =	shalt  }
0x62: {  	_ =	shalt  }
0x63: {  	_ =	shalt  }
0x64: {  	_ =	shalt  }
0x65: {  	_ =	shalt  }
0x66: {  	_ =	shalt  }
0x67: {  	_ =	shalt  }
0x68: {  	_ =	shalt  }
0x69: {  	_ =	shalt  }
0x6a: {  	_ =	shalt  }
0x6b: {  	_ =	shalt  }
0x6c: {  	_ =	shalt  }
0x6d: {  	_ =	shalt  }
0x6e: {  	_ =	shalt  }
0x6f: {  	_ =	shalt  }
0x70: {  	_ =	shalt  }
0x71: {  	_ =	shalt  }
0x72: {  	_ =	shalt  }
0x73: {  	_ =	shalt  }
0x74: {  	_ =	shalt  }
0x75: {  	_ =	shalt  }
0x76: {  	_ =	shalt  }
0x77: {  	_ =	shalt  }
0x78: {  	_ =	shalt  }
0x79: {  	_ =	shalt  }
0x7a: {  	_ =	shalt  }
0x7b: {  	_ =	shalt  }
0x7c: {  	_ =	shalt  }
0x7d: {  	_ =	shalt  }
0x7e: {  	_ =	shalt  }
0x7f: {  	_ =	shalt  }
0x80: {  	_ =	shalt  }
0x81: {  	_ =	shalt  }
0x82: {  	_ =	shalt  }
0x83: {  	_ =	shalt  }
0x84: {  	_ =	shalt  }
0x85: {  	_ =	shalt  }
0x86: {  	_ =	shalt  }
0x87: {  	_ =	shalt  }
.Lfunc_end0:
.L_simem_size_0:
called_computation_lowered:
.L_overlay_start_0:
0x88: {  	s2 =	sld [smem:$0x3FD9]  }
0x89: {  	s3 =	sld [smem:$0x3FFE];
	_ =	sdelay $0x1  }
0x8a: {  	s1 =	srdreg.scid  }
0x8b: {  	s0 =	sand.u32 $0x1, s1  }
0x8c: {  	s16 =	sshll.u32 s0, $0xA;
	s2 =	sadd.s32 s3, s2  }
0x8d: {  	s2 =	sadd.s32 s2, s16  }
0x8e: {  	[smem:$0x3FBF] =	sst s2  }
0x8f: {  	_ = 	snop  }
0x90: {  	(tm) =	ssettm $0x1  }
0x91: {  	s17 =	sld [smem:$0x3FFB];
	_ =	sdelay $0x3  }
0x92: {  	_ =	strace s17  }
0x93: {  	s2 =	sld [smem:$0x3FFC];
	_ =	sdelay $0x3  }
0x94: {  	_ =	strace s2  }
0x95: {  	s2 =	sld [smem:$0x3FFD];
	_ =	sdelay $0x3  }
0x96: {  	_ =	strace s2  }
0x97: {  	_ =	strace $0x8FFFFFFF  }
0x98: {  	s18 =	sld [smem:$0x3FDB];
	_ =	sdelay $0x1  }
0x99: {  	s19 =	simm.s32 $_scs_section_size  }
0x9a: {  	s4 =	simm.s32 $_size__tile_overlayer_lowered;
	s5 =	simm.s32 $_tile_overlayer_lowered  }
0x9b: {  	s22 =	simm.s32 $0x1BFF;
	s21 =	sshll.u32 s5, $0x1;
	s2 =	sadd.s32 s19, s18  }
0x9c: {  	s6 =	simm.s32 $0x0;
	s20 =	sshll.u32 s4, $0x1;
	s4 =	sadd.s32 s21, s2  }
0x9d: {  	[timem:s6], [sflag:s22] =	dma.local [hbm:s4], s20  }
0x9e: {  	_ =	swait.ge [sflag:s22], s20  }
0x9f: {  	s3 =	ssub.s32 $0x0, s20;
	[sflag:s22] =	ssyncset.done $0x0  }
0xa0: {  	[sflag:s22] =	ssyncadd.s32 s3;
	_ =	sdelay $0x1  }
0xa1: {  	s23 =	simm.s32 $0x1B8B  }
0xa2: {  	_ =	swait.ge [sflag:s23], $0x1  }
0xa3: {  	[sflag:s23] =	ssyncset.done $0x0  }
0xa4: {  	s25 =	simm.s32 $0x1B8E;
	s24 =	sld [smem:$0x3FFE];
	[sflag:s23] =	ssyncadd.s32 $0xFFFFFFFF  }
0xa5: {  	s26 =	simm.s32 $execute0_lowered;
	[smem:$0x3FD2] =	sst s25  }
0xa6: {  	s4 =	sshll.u32 s26, $0x1;
	_ =	strace $0x80000046;
	[dreg:$0x1] =	wrdreg $0xFFFFFFFF  }
0xa7: {  	s28 =	simm.s32 $_size_execute0_lowered;
	s2 =	sadd.s32 s2, s4;
	[dreg:$0x0] =	wrdreg $0x0  }
0xa8: {  	s4 =	sshll.u32 s28, $0x1;
	[dreg:$0x2] =	wrdreg s2  }
0xa9: {  	[dreg:$0x3] =	wrdreg s4  }
0xaa: {  	[dreg:$0x4] =	wrdreg $0xC0  }
0xab: {  	_ =	task [dreg:s6], $0x5FFFF  }
0xac: {  	[dreg:$0x1] =	wrdreg $0xFFFFFFFF  }
0xad: {  	[dreg:$0x0] =	wrdreg $0x60  }
0xae: {  	[dreg:$0x2] =	wrdreg s24  }
0xaf: {  	[dreg:$0x3] =	wrdreg $0x40800  }
0xb0: {  	[dreg:$0x4] =	wrdreg $0x9  }
0xb1: {  	_ =	task.clear_ibuf [dreg:s6], $0x5FFFF;
	_ =	strace $0x90000046  }
0xb2: {  	s29 =	simm.s32 $0x9;
	_ =	strace $0x80000048  }
0xb3: {  	_ =	swait.ge [sflag:s29], $0x1  }
0xb4: {  	[sflag:s29] =	ssyncadd.s32 $0xFFFFFFFF  }
0xb5: {  	_ =	strace $0x90000048  }
0xb6: {  	_ =	sfence  }
0xb7: {  	s30 =	sld [smem:$0x0];
	_ =	sdelay $0x2  }
0xb8: {  	s31 =	sshll.u32 s1, $0xD;
	s1 =	sshrl.u32 s1, $0x2  }
0xb9: {  	s3 =	sand.u32 $0x4000, s31;
	s1 =	sadd.s32 s1, s30  }
0xba: {  	s0 =	sor.u32 s3, s0;
	s1 =	sshll.u32 s1, $0x11  }
0xbb: {  	s0 =	sor.u32 s1, s0  }
0xbc: {  	s0 =	sadd.s32 $0x8F2B, s0  }
0xbd: {  	[sflag:s0] =	ssyncadd.remote.s32 $0x1  }
0xbe: {  	_ =	sfence.sel $0xFFFF  }
0xbf: {  	[dreg:$0x0] =	wrdreg $0xFFFFFFFF;
	(pc) =	sbr.abs _section_cstart, $3  }
0xc0: {  	[dreg:$0x1] =	wrdreg $0xFFFFFFFF  }
0xc1: {  	_ =	task.clear_ibuf [dreg:s6], $0x2FFFF;
	_ =	strace $0x9FFFFFFF  }
0xc2: {  	(tm) =	ssettm $0x7FFFFFFF  }
0xc3: {  	_ =	shalt  }
tec
execute0_lowered:
.L_overlay_start_1:
0x0: {  	(tag) =	ssettag $0x1  }
0x1: {  	s8 =	rddreg [dreg:$0x0]  }
0x2: {  	s1 =	rddreg [dreg:$0x1]  }
0x3: {  	s2 =	srdreg.scid;
	s0 =	rddreg [dreg:$0x2]  }
0x4: {  	s4 =	simm.s32 $0x0;
	s3 =	sand.u32 $0x1, s2;
	s2 =	stileid.u32  }
0x5: {  	[smem:$0x7FF] =	sst s4;
	s9 =	smul.u32 $0x13C000, s3  }
0x6: {  	s5 =	sadd.s32 $0x2000, s8;
	s6 =	sadd.s32 $0xE800, s8;
	s10 =	smul.u32 $0x13C00, s2  }
0x7: {  	s7 =	sadd.s32 $0xC000, s8;
	_ =	strace $0x80000047;
	s11 =	smul.u32 $0x4F000, s2  }
0x8: {  	s28 =	ssub.s32 $0x2, s3;
	s30 =	smul.u32 $0x2700, s2;
	s14 =	sshll.u32 s2, $0x6  }
0x9: {  	p0 =	seq.s32 s3, $0x0;
	s29 =	sshrl.u32 s28, $0x1;
	s9 =	sadd.s32 s10, s9  }
0xa: {  	s13 =	ssub.s32 s28, s29;
	s31 =	sshrl.u32 s11, $0x2;
	s9 =	sshrl.u32 s9, $0x3  }
0xb: {  	s11 =	smul.u32 $0x2780, s2;
	s15 =	sadd.s32 s31, s1;
	s12 =	sadd.s32 s9, s8  }
0xc: {  	s8 =	sadd.s32 $0x27800, s30;
	s9 =	sor.u32 $0x1C01, s14;
	s14 =	simm.s32 $0x1  }
0xd: {  	s8 =	smov.u32 @p0 s11;
	s10 =	sadd.s32 $0xF000, s12;
	s11 =	smax.u32 s13, $0x1  }
0xe: {  	s12 =	sshrl.u32 s15, $0x3;
	s13 =	simm.s32 $0x80;
	s15 =	simm.s32 $0x0  }
.LBB2_1:
0xf: {  	[spmem:s12], [sflag:s9] =	dma.local [hbm:s7], $0x2780  }
0x10: {  	_ =	swait.ge [sflag:s14], $0x2780  }
0x11: {  	[sflag:s14] =	ssyncset.done $0x0  }
0x12: {  	[sflag:s14] =	ssyncadd.s32 $0xFFFFD880  }
0x13: {  	[tilespmem:s13], [sflag:$0x1] =	stream.linear.gather [hbm4b:s6+s4], $0x4000, $0x38;
	[tilespmem:$0x17C80] =	vst v63  }
0x14: {  	_ =	swait.ge [sflag:s14], $0x4000  }
0x15: {  	[sflag:s14] =	ssyncset.done $0x0  }
0x16: {  	[sflag:s14] =	ssyncadd.s32 $0xFFFFC000  }
0x17: {  	s16 =	simm.s32 $0x1;
	s17 =	smov.u32 s8;
	[bflag:$0x0] =	sbarrier.arrive $0xFFFF  }
.LBB2_2:
0x18: {  	s18 =	sshrl.u32 s17, $0x3  }
0x19: {  	s18 =	sadd.s32 s5, s18  }
0x1a: {  	[tilespmem:s4], [sflag:$0x1] =	stream.linear.gather [hbm4b:s18+s4], $0x80, $0x38;
	[tilespmem:$0x17C80] =	vst v63  }
0x1b: {  	s31 =	sxor.u32 s16, s3;
	_ =	swait.ge [sflag:s14], $0x80  }
0x1c: {  	p0 =	sne.s32 s31, $0x4F;
	[sflag:s14] =	ssyncset.done $0x0  }
.Ltmp0:
0x1d: {  	[sflag:s14] =	ssyncadd.s32 $0xFFFFFF80;
	(pc) =	sbr.rel @p0 .LBB2_2-.Ltmp0, $4  }
0x1e: {  	[spmem:s1] =	stream.indirect.scatter.add.f32 [tilespmem:s13], [sflag:$0x1], $0x80, s4, s13, $0xb8;
	[tilespmem:$0x17C80] =	vst v63  }
0x1f: {  	_ =	swait.ge [sflag:s14], $0x4000  }
0x20: {  	[sflag:s14] =	ssyncset.done $0x0  }
0x21: {  	s17 =	sadd.s32 $0x80, s17;
	s16 =	sadd.s32 $0x1, s16;
	[sflag:s14] =	ssyncadd.s32 $0xFFFFC000  }
0x22: {  	s15 =	sadd.s32 $0x1, s15  }
0x23: {  	p0 =	sne.s32 s15, s11  }
.Ltmp1:
0x24: {  	[bflag:$0x0] =	sbarrier.arrive $0xFFFF;
	(pc) =	sbr.rel @p0 .LBB2_1-.Ltmp1, $4  }
0x25: {  	[hbm:s10], [sflag:s9] =	dma.local [spmem:s12], $0x2780  }
0x26: {  	_ =	swait.ge [sflag:s14], $0x2780  }
0x27: {  	[sflag:s14] =	ssyncset.done $0x0  }
0x28: {  	[sflag:s14] =	ssyncadd.s32 $0xFFFFD880  }
0x29: {  	_ =	sfence.sel $0x180000  }
0x2a: {  	[bflag:$0x0] =	sbarrier.arrive $0xFFFF  }
0x2b: {  	p0 =	sne.s32 s2, $0x0;
	_ =	strace $0x90000047  }
0x2c: {  	s0 =	sadd.s32 @!p0 $0x100000, s0;
	[bflag:$0x2] =	sbarrier.arrive $0xFFFF  }
0x2d: {  	[sflag:s0] =	ssyncadd.tile.s32 @!p0 $0x1;
	_ =	shalt  }
.Lfunc_end2:
_tile_overlayer_lowered:
.L_overlay_start_2:
0x2e: {  	(tag) =	ssettag $0x2  }
0x2f: {  	s0 =	rddreg [dreg:$0x0];
	s2 =	stileid.u32  }
0x30: {  	s1 =	rddreg [dreg:$0x1];
	p0 =	sne.s32 s2, $0x0  }
0x31: {  	s3 =	rddreg [dreg:$0x2];
	[bflag:$0x3] =	sbarrier.arrive $0xFFFF;
	s2 =	simm.s32 @!p0 $0x1C01  }
0x32: {  	[timem:s3], [sflag:s2] =	dma.local @!p0 [hbm:s0], s1  }
0x33: {  	s0 =	simm.s32 @!p0 $0x1  }
0x34: {  	_ =	swait.ge @!p0 [sflag:s0], s1  }
0x35: {  	s1 =	ssub.s32 @!p0 $0x0, s1;
	[sflag:s0] =	ssyncset.done @!p0 $0x0  }
0x36: {  	[sflag:s0] =	ssyncadd.s32 @!p0 s1  }
0x37: {  	[bflag:$0x3] =	sbarrier.arrive $0xFFFF  }
0x38: {  	_ =	shalt  }

</sc_bundles>
